<compile_context>
chip_gen: v7x
topology: tpu7x:2x2x1
jax: 0.10.2.dev20260603
libtpu: 0.0.44.dev20260713+nightly
codegen_flags: <defaults>
</compile_context>

<pallas_src>
import functools
import jax
import jax.numpy as jnp
from jax import lax
from jax.experimental import pallas as pl
from jax.experimental.pallas import tpu as pltpu, tpu_sc as plsc

_T = 100
_B = 4096
_F = 128
_L = 16

_info = plsc.get_sparse_core_info()
_NC, _NS = _info.num_cores, _info.num_subcores
_NW = _NC * _NS
_RPW = _B // _NW


def _spike_cols(xbuf, row, c):
    xv = xbuf[row, pl.ds(c * _L, _L)]
    st = ((1.0 - xv) * _T).astype(jnp.int32)
    valid = st < _T
    idx_r = jnp.minimum(st, _T - 1)
    return idx_r, valid


def _scatter_row(buf, xbuf, row, value):
    vals = jnp.full((_L,), value, jnp.float32)
    for c in range(_F // _L):
        idx_r, valid = _spike_cols(xbuf, row, c)
        idx_c = jnp.arange(_L, dtype=jnp.int32) + c * _L
        plsc.store_scatter(buf, [idx_r, idx_c], vals, mask=valid)


def _sc_kernel(x_hbm, out_hbm, xbuf, buf0, buf1, sem0, sem1):
    wid = lax.axis_index("s") * _NC + lax.axis_index("c")
    base = wid * _RPW
    bufs = (buf0, buf1)
    sems = (sem0, sem1)

    pltpu.sync_copy(x_hbm.at[pl.ds(base, _RPW)], xbuf)

    def _zero(t, _):
        z = jnp.zeros((_L,), jnp.float32)
        for c in range(_F // _L):
            buf0[t, pl.ds(c * _L, _L)] = z
            buf1[t, pl.ds(c * _L, _L)] = z
        return 0

    lax.fori_loop(0, _T, _zero, 0)

    for b in range(2):
        _scatter_row(bufs[b], xbuf, b, 1.0)
        pltpu.async_copy(bufs[b], out_hbm.at[base + b], sems[b])

    def _step(i, _):
        r0 = 2 * i
        for b in range(2):
            row = r0 + b
            pltpu.make_async_copy(bufs[b], out_hbm.at[base], sems[b]).wait()
            _scatter_row(bufs[b], xbuf, row - 2, 0.0)
            _scatter_row(bufs[b], xbuf, row, 1.0)
            pltpu.async_copy(bufs[b], out_hbm.at[base + row], sems[b])
        return 0

    lax.fori_loop(1, _RPW // 2, _step, 0)

    for b in range(2):
        pltpu.make_async_copy(bufs[b], out_hbm.at[base], sems[b]).wait()


def kernel(x):
    mesh = plsc.VectorSubcoreMesh(core_axis_name="c", subcore_axis_name="s")
    run = functools.partial(
        pl.kernel,
        out_type=jax.ShapeDtypeStruct((_B, _T, _F), jnp.float32),
        mesh=mesh,
        scratch_types=[
            pltpu.VMEM((_RPW, _F), jnp.float32),
            pltpu.VMEM((_T, _F), jnp.float32),
            pltpu.VMEM((_T, _F), jnp.float32),
            pltpu.SemaphoreType.DMA,
            pltpu.SemaphoreType.DMA,
        ],
        compiler_params=pltpu.CompilerParams(needs_layout_passes=False),
    )(_sc_kernel)
    return run(x)

# --- scband reference (transcript-rebuilt; emitter-appended) ---
"""Pipeline reference for scband-temporal-spike-coder-78125455114738 (READ-ONLY COPY).

The authoritative reference and input builder live on the scoring server;
editing this copy changes nothing except your own understanding.
"""

import jax, jax.numpy as jnp
import numpy as np

NUM_STEPS = 100

def setup_inputs(seed: int = 0) -> dict:
    key = jax.random.key(seed)
    x = jax.random.uniform(key, (4096, 128), dtype=jnp.float32)
    return {"x": x}

def reference(x):
    # TemporalSpikeCoder.encode with encoding_type='latency'
    # spike_times = ((1 - x) * num_steps).long(); spike_train[b, t, f] = 1 where t < num_steps
    B, F = x.shape
    T = NUM_STEPS
    spike_times = ((1.0 - x) * T).astype(jnp.int32)  # trunc toward zero == torch .long() for nonneg
    valid = (spike_times < T).astype(jnp.float32)
    t = jnp.clip(spike_times, 0, T - 1)
    b_idx = jnp.arange(B)[:, None]
    f_idx = jnp.arange(F)[None, :]
    spike_train = jnp.zeros((B, T, F), dtype=jnp.float32).at[b_idx, t, f_idx].set(valid)
    return spike_train

if __name__ == "__main__":
    import jax
    _d = setup_inputs()
    print(jax.jit(kernel)(*tuple(_d.values())))

</pallas_src>

<mosaic_0001>
#map = affine_map<(d0, d1) -> (0, 0)>
#map1 = affine_map<(d0, d1) -> (0, 0, 0)>
module attributes {stable_mosaic.version = 14 : i64} {
  func.func @_sc_kernel(%arg0: i32, %arg1: i32, %arg2: memref<4096x128xf32, #tpu.memory_space<hbm>>, %arg3: memref<4096x100x128xf32, #tpu.memory_space<hbm>>, %arg4: memref<128x128xf32, #tpu.memory_space<vmem>>, %arg5: memref<100x128xf32, #tpu.memory_space<vmem>>, %arg6: memref<100x128xf32, #tpu.memory_space<vmem>>, %arg7: memref<!tpu.dma_semaphore, #tpu.memory_space<semaphore_mem>>, %arg8: memref<!tpu.dma_semaphore, #tpu.memory_space<semaphore_mem>>) attributes {dimension_semantics = [#tpu.dimension_semantics<core_parallel>, #tpu.dimension_semantics<subcore_parallel>], iteration_bounds = array<i64: 2, 16>, scalar_prefetch = 0 : i64, scratch_operands = 5 : i64, tpu.core_type = #tpu.core_type<sc_vector_subcore>, window_params = [{transform_indices = #map}, {transform_indices = #map1}]} {
    %mul3A = arith.constant 2 : i32
    %mul3A_0 = arith.muli %arg1, %mul3A : i32
    %add3A = arith.addi %mul3A_0, %arg0 : i32
    %mul3A_1 = arith.constant 128 : i32
    %mul3A_2 = arith.muli %add3A, %mul3A_1 : i32
    "tpu.region"() ({
      %run_scoped3A = tpu.sem_alloc : memref<!tpu.dma_semaphore, #tpu.memory_space<semaphore_mem>>
      %dma_start3A_383 = arith.constant 0 : i32
      %dma_start3A_384 = tpu.memref_slice %arg2[%mul3A_2, %dma_start3A_383] : memref<4096x128xf32, #tpu.memory_space<hbm>> -> memref<128x128xf32, #tpu.memory_space<hbm>>
      %dma_start3A_385 = arith.constant 0 : i32
      %dma_start3A_386 = tpu.memref_slice %arg2[%mul3A_2, %dma_start3A_385] : memref<4096x128xf32, #tpu.memory_space<hbm>> -> memref<128x128xf32, #tpu.memory_space<hbm>>
      tpu.enqueue_dma source(%dma_start3A_386 : memref<128x128xf32, #tpu.memory_space<hbm>>) target(%arg4 : memref<128x128xf32, #tpu.memory_space<vmem>>) target_semaphore(%run_scoped3A : memref<!tpu.dma_semaphore, #tpu.memory_space<semaphore_mem>>)
      %dma_wait3A_387 = arith.constant 0 : i32
      %dma_wait3A_388 = tpu.memref_slice %arg2[%mul3A_2, %dma_wait3A_387] : memref<4096x128xf32, #tpu.memory_space<hbm>> -> memref<128x128xf32, #tpu.memory_space<hbm>>
      %dma_wait3A_389 = arith.constant 0 : i32
      %dma_wait3A_390 = tpu.memref_slice %arg2[%mul3A_2, %dma_wait3A_389] : memref<4096x128xf32, #tpu.memory_space<hbm>> -> memref<128x128xf32, #tpu.memory_space<hbm>>
      tpu.wait_dma2 semaphore(%run_scoped3A : memref<!tpu.dma_semaphore, #tpu.memory_space<semaphore_mem>>) src(%dma_wait3A_390 : memref<128x128xf32, #tpu.memory_space<hbm>>) dst(%arg4 : memref<128x128xf32, #tpu.memory_space<vmem>>)
      tpu.yield
    }) : () -> ()
    %scan3A = arith.constant 0 : i32
    %scan3A_3 = arith.constant 0 : i32
    %scan3A_4 = arith.constant 100 : i32
    %scan3A_5 = arith.addi %scan3A_3, %scan3A_4 : i32
    %scan3A_6 = arith.constant 1 : i32
    %scan3A_7 = scf.for %scan3A_383 = %scan3A_3 to %scan3A_5 step %scan3A_6 iter_args(%scan3A_384 = %scan3A) -> (i32)  : i32 {
      %broadcast_in_dim3A_385 = arith.constant 0.000000e+00 : f32
      %broadcast_in_dim3A_386 = vector.broadcast %broadcast_in_dim3A_385 : f32 to vector<16xf32>
      %swap3A = arith.index_cast %scan3A_383 : i32 to index
      %swap3A_387 = arith.constant 0 : index
      %swap3A_388 = tpu.vector_load %arg5[%swap3A, %swap3A_387] {strides = array<i32>} : memref<100x128xf32, #tpu.memory_space<vmem>>, vector<16xf32>,
      tpu.vector_store %arg5[%swap3A, %swap3A_387], %broadcast_in_dim3A_386 {strides = array<i32>} : memref<100x128xf32, #tpu.memory_space<vmem>>, vector<16xf32>,
      %swap3A_389 = arith.index_cast %scan3A_383 : i32 to index
      %swap3A_390 = arith.constant 0 : index
      %swap3A_391 = tpu.vector_load %arg6[%swap3A_389, %swap3A_390] {strides = array<i32>} : memref<100x128xf32, #tpu.memory_space<vmem>>, vector<16xf32>,
      tpu.vector_store %arg6[%swap3A_389, %swap3A_390], %broadcast_in_dim3A_386 {strides = array<i32>} : memref<100x128xf32, #tpu.memory_space<vmem>>, vector<16xf32>,
      %swap3A_392 = arith.index_cast %scan3A_383 : i32 to index
      %swap3A_393 = arith.constant 16 : index
      %swap3A_394 = tpu.vector_load %arg5[%swap3A_392, %swap3A_393] {strides = array<i32>} : memref<100x128xf32, #tpu.memory_space<vmem>>, vector<16xf32>,
      tpu.vector_store %arg5[%swap3A_392, %swap3A_393], %broadcast_in_dim3A_386 {strides = array<i32>} : memref<100x128xf32, #tpu.memory_space<vmem>>, vector<16xf32>,
      %swap3A_395 = arith.index_cast %scan3A_383 : i32 to index
      %swap3A_396 = arith.constant 16 : index
      %swap3A_397 = tpu.vector_load %arg6[%swap3A_395, %swap3A_396] {strides = array<i32>} : memref<100x128xf32, #tpu.memory_space<vmem>>, vector<16xf32>,
      tpu.vector_store %arg6[%swap3A_395, %swap3A_396], %broadcast_in_dim3A_386 {strides = array<i32>} : memref<100x128xf32, #tpu.memory_space<vmem>>, vector<16xf32>,
      %swap3A_398 = arith.index_cast %scan3A_383 : i32 to index
      %swap3A_399 = arith.constant 32 : index
      %swap3A_400 = tpu.vector_load %arg5[%swap3A_398, %swap3A_399] {strides = array<i32>} : memref<100x128xf32, #tpu.memory_space<vmem>>, vector<16xf32>,
      tpu.vector_store %arg5[%swap3A_398, %swap3A_399], %broadcast_in_dim3A_386 {strides = array<i32>} : memref<100x128xf32, #tpu.memory_space<vmem>>, vector<16xf32>,
      %swap3A_401 = arith.index_cast %scan3A_383 : i32 to index
      %swap3A_402 = arith.constant 32 : index
      %swap3A_403 = tpu.vector_load %arg6[%swap3A_401, %swap3A_402] {strides = array<i32>} : memref<100x128xf32, #tpu.memory_space<vmem>>, vector<16xf32>,
      tpu.vector_store %arg6[%swap3A_401, %swap3A_402], %broadcast_in_dim3A_386 {strides = array<i32>} : memref<100x128xf32, #tpu.memory_space<vmem>>, vector<16xf32>,
      %swap3A_404 = arith.index_cast %scan3A_383 : i32 to index
      %swap3A_405 = arith.constant 48 : index
      %swap3A_406 = tpu.vector_load %arg5[%swap3A_404, %swap3A_405] {strides = array<i32>} : memref<100x128xf32, #tpu.memory_space<vmem>>, vector<16xf32>,
      tpu.vector_store %arg5[%swap3A_404, %swap3A_405], %broadcast_in_dim3A_386 {strides = array<i32>} : memref<100x128xf32, #tpu.memory_space<vmem>>, vector<16xf32>,
      %swap3A_407 = arith.index_cast %scan3A_383 : i32 to index
      %swap3A_408 = arith.constant 48 : index
      %swap3A_409 = tpu.vector_load %arg6[%swap3A_407, %swap3A_408] {strides = array<i32>} : memref<100x128xf32, #tpu.memory_space<vmem>>, vector<16xf32>,
      tpu.vector_store %arg6[%swap3A_407, %swap3A_408], %broadcast_in_dim3A_386 {strides = array<i32>} : memref<100x128xf32, #tpu.memory_space<vmem>>, vector<16xf32>,
      %swap3A_410 = arith.index_cast %scan3A_383 : i32 to index
      %swap3A_411 = arith.constant 64 : index
      %swap3A_412 = tpu.vector_load %arg5[%swap3A_410, %swap3A_411] {strides = array<i32>} : memref<100x128xf32, #tpu.memory_space<vmem>>, vector<16xf32>,
      tpu.vector_store %arg5[%swap3A_410, %swap3A_411], %broadcast_in_dim3A_386 {strides = array<i32>} : memref<100x128xf32, #tpu.memory_space<vmem>>, vector<16xf32>,
      %swap3A_413 = arith.index_cast %scan3A_383 : i32 to index
      %swap3A_414 = arith.constant 64 : index
      %swap3A_415 = tpu.vector_load %arg6[%swap3A_413, %swap3A_414] {strides = array<i32>} : memref<100x128xf32, #tpu.memory_space<vmem>>, vector<16xf32>,
      tpu.vector_store %arg6[%swap3A_413, %swap3A_414], %broadcast_in_dim3A_386 {strides = array<i32>} : memref<100x128xf32, #tpu.memory_space<vmem>>, vector<16xf32>,
      %swap3A_416 = arith.index_cast %scan3A_383 : i32 to index
      %swap3A_417 = arith.constant 80 : index
      %swap3A_418 = tpu.vector_load %arg5[%swap3A_416, %swap3A_417] {strides = array<i32>} : memref<100x128xf32, #tpu.memory_space<vmem>>, vector<16xf32>,
      tpu.vector_store %arg5[%swap3A_416, %swap3A_417], %broadcast_in_dim3A_386 {strides = array<i32>} : memref<100x128xf32, #tpu.memory_space<vmem>>, vector<16xf32>,
      %swap3A_419 = arith.index_cast %scan3A_383 : i32 to index
      %swap3A_420 = arith.constant 80 : index
      %swap3A_421 = tpu.vector_load %arg6[%swap3A_419, %swap3A_420] {strides = array<i32>} : memref<100x128xf32, #tpu.memory_space<vmem>>, vector<16xf32>,
      tpu.vector_store %arg6[%swap3A_419, %swap3A_420], %broadcast_in_dim3A_386 {strides = array<i32>} : memref<100x128xf32, #tpu.memory_space<vmem>>, vector<16xf32>,
      %swap3A_422 = arith.index_cast %scan3A_383 : i32 to index
      %swap3A_423 = arith.constant 96 : index
      %swap3A_424 = tpu.vector_load %arg5[%swap3A_422, %swap3A_423] {strides = array<i32>} : memref<100x128xf32, #tpu.memory_space<vmem>>, vector<16xf32>,
      tpu.vector_store %arg5[%swap3A_422, %swap3A_423], %broadcast_in_dim3A_386 {strides = array<i32>} : memref<100x128xf32, #tpu.memory_space<vmem>>, vector<16xf32>,
      %swap3A_425 = arith.index_cast %scan3A_383 : i32 to index
      %swap3A_426 = arith.constant 96 : index
      %swap3A_427 = tpu.vector_load %arg6[%swap3A_425, %swap3A_426] {strides = array<i32>} : memref<100x128xf32, #tpu.memory_space<vmem>>, vector<16xf32>,
      tpu.vector_store %arg6[%swap3A_425, %swap3A_426], %broadcast_in_dim3A_386 {strides = array<i32>} : memref<100x128xf32, #tpu.memory_space<vmem>>, vector<16xf32>,
      %swap3A_428 = arith.index_cast %scan3A_383 : i32 to index
      %swap3A_429 = arith.constant 112 : index
      %swap3A_430 = tpu.vector_load %arg5[%swap3A_428, %swap3A_429] {strides = array<i32>} : memref<100x128xf32, #tpu.memory_space<vmem>>, vector<16xf32>,
      tpu.vector_store %arg5[%swap3A_428, %swap3A_429], %broadcast_in_dim3A_386 {strides = array<i32>} : memref<100x128xf32, #tpu.memory_space<vmem>>, vector<16xf32>,
      %swap3A_431 = arith.index_cast %scan3A_383 : i32 to index
      %swap3A_432 = arith.constant 112 : index
      %swap3A_433 = tpu.vector_load %arg6[%swap3A_431, %swap3A_432] {strides = array<i32>} : memref<100x128xf32, #tpu.memory_space<vmem>>, vector<16xf32>,
      tpu.vector_store %arg6[%swap3A_431, %swap3A_432], %broadcast_in_dim3A_386 {strides = array<i32>} : memref<100x128xf32, #tpu.memory_space<vmem>>, vector<16xf32>,
      %scan3A_434 = arith.constant 0 : i32
      scf.yield %scan3A_434 : i32
    }
    %scan3A_8 = arith.constant 100 : i32
    %broadcast_in_dim3A = arith.constant 1.000000e+00 : f32
    %broadcast_in_dim3A_9 = vector.broadcast %broadcast_in_dim3A : f32 to vector<16xf32>
    %get3A = arith.constant 0 : i32
    %get3A_10 = arith.index_cast %get3A : i32 to index
    %get3A_11 = arith.constant 0 : index
    %get3A_12 = tpu.vector_load %arg4[%get3A_10, %get3A_11] {strides = array<i32>} : memref<128x128xf32, #tpu.memory_space<vmem>>, vector<16xf32>,
    %sub3A = arith.constant 1.000000e+00 : f32
    %sub3A_13 = vector.broadcast %sub3A : f32 to vector<16xf32>
    %sub3A_14 = arith.subf %sub3A_13, %get3A_12 : vector<16xf32>
    %mul3A_15 = arith.constant 1.000000e+02 : f32
    %mul3A_16 = vector.broadcast %mul3A_15 : f32 to vector<16xf32>
    %mul3A_17 = arith.mulf %sub3A_14, %mul3A_16 : vector<16xf32>
    %convert_element_type3A = arith.fptosi %mul3A_17 : vector<16xf32> to vector<16xi32>
    %lt3A = arith.constant 100 : i32
    %lt3A_18 = vector.broadcast %lt3A : i32 to vector<16xi32>
    %lt3A_19 = arith.cmpi slt, %convert_element_type3A, %lt3A_18 : vector<16xi32>
    %min3A = arith.constant 99 : i32
    %min3A_20 = vector.broadcast %min3A : i32 to vector<16xi32>
    %min3A_21 = arith.minsi %convert_element_type3A, %min3A_20 : vector<16xi32>
    %iota3A = tpu.iota {dimensions = array<i32: 0>} : vector<16xi32>
    %add3A_22 = arith.constant 0 : i32
    %add3A_23 = vector.broadcast %add3A_22 : i32 to vector<16xi32>
    %add3A_24 = arith.addi %iota3A, %add3A_23 : vector<16xi32>
    tpu.vector_store_idx %arg5[%min3A_21, %add3A_24], %broadcast_in_dim3A_9 masked %lt3A_19 : memref<100x128xf32, #tpu.memory_space<vmem>>[vector<16xi32>, vector<16xi32>], vector<16xf32>, vector<16xi1>
    %get3A_25 = arith.constant 0 : i32
    %get3A_26 = arith.index_cast %get3A_25 : i32 to index
    %get3A_27 = arith.constant 16 : index
    %get3A_28 = tpu.vector_load %arg4[%get3A_26, %get3A_27] {strides = array<i32>} : memref<128x128xf32, #tpu.memory_space<vmem>>, vector<16xf32>,
    %sub3A_29 = arith.constant 1.000000e+00 : f32
    %sub3A_30 = vector.broadcast %sub3A_29 : f32 to vector<16xf32>
    %sub3A_31 = arith.subf %sub3A_30, %get3A_28 : vector<16xf32>
    %mul3A_32 = arith.constant 1.000000e+02 : f32
    %mul3A_33 = vector.broadcast %mul3A_32 : f32 to vector<16xf32>
    %mul3A_34 = arith.mulf %sub3A_31, %mul3A_33 : vector<16xf32>
    %convert_element_type3A_35 = arith.fptosi %mul3A_34 : vector<16xf32> to vector<16xi32>
    %lt3A_36 = arith.constant 100 : i32
    %lt3A_37 = vector.broadcast %lt3A_36 : i32 to vector<16xi32>
    %lt3A_38 = arith.cmpi slt, %convert_element_type3A_35, %lt3A_37 : vector<16xi32>
    %min3A_39 = arith.constant 99 : i32
    %min3A_40 = vector.broadcast %min3A_39 : i32 to vector<16xi32>
    %min3A_41 = arith.minsi %convert_element_type3A_35, %min3A_40 : vector<16xi32>
    %iota3A_42 = tpu.iota {dimensions = array<i32: 0>} : vector<16xi32>
    %add3A_43 = arith.constant 16 : i32
    %add3A_44 = vector.broadcast %add3A_43 : i32 to vector<16xi32>
    %add3A_45 = arith.addi %iota3A_42, %add3A_44 : vector<16xi32>
    tpu.vector_store_idx %arg5[%min3A_41, %add3A_45], %broadcast_in_dim3A_9 masked %lt3A_38 : memref<100x128xf32, #tpu.memory_space<vmem>>[vector<16xi32>, vector<16xi32>], vector<16xf32>, vector<16xi1>
    %get3A_46 = arith.constant 0 : i32
    %get3A_47 = arith.index_cast %get3A_46 : i32 to index
    %get3A_48 = arith.constant 32 : index
    %get3A_49 = tpu.vector_load %arg4[%get3A_47, %get3A_48] {strides = array<i32>} : memref<128x128xf32, #tpu.memory_space<vmem>>, vector<16xf32>,
    %sub3A_50 = arith.constant 1.000000e+00 : f32
    %sub3A_51 = vector.broadcast %sub3A_50 : f32 to vector<16xf32>
    %sub3A_52 = arith.subf %sub3A_51, %get3A_49 : vector<16xf32>
    %mul3A_53 = arith.constant 1.000000e+02 : f32
    %mul3A_54 = vector.broadcast %mul3A_53 : f32 to vector<16xf32>
    %mul3A_55 = arith.mulf %sub3A_52, %mul3A_54 : vector<16xf32>
    %convert_element_type3A_56 = arith.fptosi %mul3A_55 : vector<16xf32> to vector<16xi32>
    %lt3A_57 = arith.constant 100 : i32
    %lt3A_58 = vector.broadcast %lt3A_57 : i32 to vector<16xi32>
    %lt3A_59 = arith.cmpi slt, %convert_element_type3A_56, %lt3A_58 : vector<16xi32>
    %min3A_60 = arith.constant 99 : i32
    %min3A_61 = vector.broadcast %min3A_60 : i32 to vector<16xi32>
    %min3A_62 = arith.minsi %convert_element_type3A_56, %min3A_61 : vector<16xi32>
    %iota3A_63 = tpu.iota {dimensions = array<i32: 0>} : vector<16xi32>
    %add3A_64 = arith.constant 32 : i32
    %add3A_65 = vector.broadcast %add3A_64 : i32 to vector<16xi32>
    %add3A_66 = arith.addi %iota3A_63, %add3A_65 : vector<16xi32>
    tpu.vector_store_idx %arg5[%min3A_62, %add3A_66], %broadcast_in_dim3A_9 masked %lt3A_59 : memref<100x128xf32, #tpu.memory_space<vmem>>[vector<16xi32>, vector<16xi32>], vector<16xf32>, vector<16xi1>
    %get3A_67 = arith.constant 0 : i32
    %get3A_68 = arith.index_cast %get3A_67 : i32 to index
    %get3A_69 = arith.constant 48 : index
    %get3A_70 = tpu.vector_load %arg4[%get3A_68, %get3A_69] {strides = array<i32>} : memref<128x128xf32, #tpu.memory_space<vmem>>, vector<16xf32>,
    %sub3A_71 = arith.constant 1.000000e+00 : f32
    %sub3A_72 = vector.broadcast %sub3A_71 : f32 to vector<16xf32>
    %sub3A_73 = arith.subf %sub3A_72, %get3A_70 : vector<16xf32>
    %mul3A_74 = arith.constant 1.000000e+02 : f32
    %mul3A_75 = vector.broadcast %mul3A_74 : f32 to vector<16xf32>
    %mul3A_76 = arith.mulf %sub3A_73, %mul3A_75 : vector<16xf32>
    %convert_element_type3A_77 = arith.fptosi %mul3A_76 : vector<16xf32> to vector<16xi32>
    %lt3A_78 = arith.constant 100 : i32
    %lt3A_79 = vector.broadcast %lt3A_78 : i32 to vector<16xi32>
    %lt3A_80 = arith.cmpi slt, %convert_element_type3A_77, %lt3A_79 : vector<16xi32>
    %min3A_81 = arith.constant 99 : i32
    %min3A_82 = vector.broadcast %min3A_81 : i32 to vector<16xi32>
    %min3A_83 = arith.minsi %convert_element_type3A_77, %min3A_82 : vector<16xi32>
    %iota3A_84 = tpu.iota {dimensions = array<i32: 0>} : vector<16xi32>
    %add3A_85 = arith.constant 48 : i32
    %add3A_86 = vector.broadcast %add3A_85 : i32 to vector<16xi32>
    %add3A_87 = arith.addi %iota3A_84, %add3A_86 : vector<16xi32>
    tpu.vector_store_idx %arg5[%min3A_83, %add3A_87], %broadcast_in_dim3A_9 masked %lt3A_80 : memref<100x128xf32, #tpu.memory_space<vmem>>[vector<16xi32>, vector<16xi32>], vector<16xf32>, vector<16xi1>
    %get3A_88 = arith.constant 0 : i32
    %get3A_89 = arith.index_cast %get3A_88 : i32 to index
    %get3A_90 = arith.constant 64 : index
    %get3A_91 = tpu.vector_load %arg4[%get3A_89, %get3A_90] {strides = array<i32>} : memref<128x128xf32, #tpu.memory_space<vmem>>, vector<16xf32>,
    %sub3A_92 = arith.constant 1.000000e+00 : f32
    %sub3A_93 = vector.broadcast %sub3A_92 : f32 to vector<16xf32>
    %sub3A_94 = arith.subf %sub3A_93, %get3A_91 : vector<16xf32>
    %mul3A_95 = arith.constant 1.000000e+02 : f32
    %mul3A_96 = vector.broadcast %mul3A_95 : f32 to vector<16xf32>
    %mul3A_97 = arith.mulf %sub3A_94, %mul3A_96 : vector<16xf32>
    %convert_element_type3A_98 = arith.fptosi %mul3A_97 : vector<16xf32> to vector<16xi32>
    %lt3A_99 = arith.constant 100 : i32
    %lt3A_100 = vector.broadcast %lt3A_99 : i32 to vector<16xi32>
    %lt3A_101 = arith.cmpi slt, %convert_element_type3A_98, %lt3A_100 : vector<16xi32>
    %min3A_102 = arith.constant 99 : i32
    %min3A_103 = vector.broadcast %min3A_102 : i32 to vector<16xi32>
    %min3A_104 = arith.minsi %convert_element_type3A_98, %min3A_103 : vector<16xi32>
    %iota3A_105 = tpu.iota {dimensions = array<i32: 0>} : vector<16xi32>
    %add3A_106 = arith.constant 64 : i32
    %add3A_107 = vector.broadcast %add3A_106 : i32 to vector<16xi32>
    %add3A_108 = arith.addi %iota3A_105, %add3A_107 : vector<16xi32>
    tpu.vector_store_idx %arg5[%min3A_104, %add3A_108], %broadcast_in_dim3A_9 masked %lt3A_101 : memref<100x128xf32, #tpu.memory_space<vmem>>[vector<16xi32>, vector<16xi32>], vector<16xf32>, vector<16xi1>
    %get3A_109 = arith.constant 0 : i32
    %get3A_110 = arith.index_cast %get3A_109 : i32 to index
    %get3A_111 = arith.constant 80 : index
    %get3A_112 = tpu.vector_load %arg4[%get3A_110, %get3A_111] {strides = array<i32>} : memref<128x128xf32, #tpu.memory_space<vmem>>, vector<16xf32>,
    %sub3A_113 = arith.constant 1.000000e+00 : f32
    %sub3A_114 = vector.broadcast %sub3A_113 : f32 to vector<16xf32>
    %sub3A_115 = arith.subf %sub3A_114, %get3A_112 : vector<16xf32>
    %mul3A_116 = arith.constant 1.000000e+02 : f32
    %mul3A_117 = vector.broadcast %mul3A_116 : f32 to vector<16xf32>
    %mul3A_118 = arith.mulf %sub3A_115, %mul3A_117 : vector<16xf32>
    %convert_element_type3A_119 = arith.fptosi %mul3A_118 : vector<16xf32> to vector<16xi32>
    %lt3A_120 = arith.constant 100 : i32
    %lt3A_121 = vector.broadcast %lt3A_120 : i32 to vector<16xi32>
    %lt3A_122 = arith.cmpi slt, %convert_element_type3A_119, %lt3A_121 : vector<16xi32>
    %min3A_123 = arith.constant 99 : i32
    %min3A_124 = vector.broadcast %min3A_123 : i32 to vector<16xi32>
    %min3A_125 = arith.minsi %convert_element_type3A_119, %min3A_124 : vector<16xi32>
    %iota3A_126 = tpu.iota {dimensions = array<i32: 0>} : vector<16xi32>
    %add3A_127 = arith.constant 80 : i32
    %add3A_128 = vector.broadcast %add3A_127 : i32 to vector<16xi32>
    %add3A_129 = arith.addi %iota3A_126, %add3A_128 : vector<16xi32>
    tpu.vector_store_idx %arg5[%min3A_125, %add3A_129], %broadcast_in_dim3A_9 masked %lt3A_122 : memref<100x128xf32, #tpu.memory_space<vmem>>[vector<16xi32>, vector<16xi32>], vector<16xf32>, vector<16xi1>
    %get3A_130 = arith.constant 0 : i32
    %get3A_131 = arith.index_cast %get3A_130 : i32 to index
    %get3A_132 = arith.constant 96 : index
    %get3A_133 = tpu.vector_load %arg4[%get3A_131, %get3A_132] {strides = array<i32>} : memref<128x128xf32, #tpu.memory_space<vmem>>, vector<16xf32>,
    %sub3A_134 = arith.constant 1.000000e+00 : f32
    %sub3A_135 = vector.broadcast %sub3A_134 : f32 to vector<16xf32>
    %sub3A_136 = arith.subf %sub3A_135, %get3A_133 : vector<16xf32>
    %mul3A_137 = arith.constant 1.000000e+02 : f32
    %mul3A_138 = vector.broadcast %mul3A_137 : f32 to vector<16xf32>
    %mul3A_139 = arith.mulf %sub3A_136, %mul3A_138 : vector<16xf32>
    %convert_element_type3A_140 = arith.fptosi %mul3A_139 : vector<16xf32> to vector<16xi32>
    %lt3A_141 = arith.constant 100 : i32
    %lt3A_142 = vector.broadcast %lt3A_141 : i32 to vector<16xi32>
    %lt3A_143 = arith.cmpi slt, %convert_element_type3A_140, %lt3A_142 : vector<16xi32>
    %min3A_144 = arith.constant 99 : i32
    %min3A_145 = vector.broadcast %min3A_144 : i32 to vector<16xi32>
    %min3A_146 = arith.minsi %convert_element_type3A_140, %min3A_145 : vector<16xi32>
    %iota3A_147 = tpu.iota {dimensions = array<i32: 0>} : vector<16xi32>
    %add3A_148 = arith.constant 96 : i32
    %add3A_149 = vector.broadcast %add3A_148 : i32 to vector<16xi32>
    %add3A_150 = arith.addi %iota3A_147, %add3A_149 : vector<16xi32>
    tpu.vector_store_idx %arg5[%min3A_146, %add3A_150], %broadcast_in_dim3A_9 masked %lt3A_143 : memref<100x128xf32, #tpu.memory_space<vmem>>[vector<16xi32>, vector<16xi32>], vector<16xf32>, vector<16xi1>
    %get3A_151 = arith.constant 0 : i32
    %get3A_152 = arith.index_cast %get3A_151 : i32 to index
    %get3A_153 = arith.constant 112 : index
    %get3A_154 = tpu.vector_load %arg4[%get3A_152, %get3A_153] {strides = array<i32>} : memref<128x128xf32, #tpu.memory_space<vmem>>, vector<16xf32>,
    %sub3A_155 = arith.constant 1.000000e+00 : f32
    %sub3A_156 = vector.broadcast %sub3A_155 : f32 to vector<16xf32>
    %sub3A_157 = arith.subf %sub3A_156, %get3A_154 : vector<16xf32>
    %mul3A_158 = arith.constant 1.000000e+02 : f32
    %mul3A_159 = vector.broadcast %mul3A_158 : f32 to vector<16xf32>
    %mul3A_160 = arith.mulf %sub3A_157, %mul3A_159 : vector<16xf32>
    %convert_element_type3A_161 = arith.fptosi %mul3A_160 : vector<16xf32> to vector<16xi32>
    %lt3A_162 = arith.constant 100 : i32
    %lt3A_163 = vector.broadcast %lt3A_162 : i32 to vector<16xi32>
    %lt3A_164 = arith.cmpi slt, %convert_element_type3A_161, %lt3A_163 : vector<16xi32>
    %min3A_165 = arith.constant 99 : i32
    %min3A_166 = vector.broadcast %min3A_165 : i32 to vector<16xi32>
    %min3A_167 = arith.minsi %convert_element_type3A_161, %min3A_166 : vector<16xi32>
    %iota3A_168 = tpu.iota {dimensions = array<i32: 0>} : vector<16xi32>
    %add3A_169 = arith.constant 112 : i32
    %add3A_170 = vector.broadcast %add3A_169 : i32 to vector<16xi32>
    %add3A_171 = arith.addi %iota3A_168, %add3A_170 : vector<16xi32>
    tpu.vector_store_idx %arg5[%min3A_167, %add3A_171], %broadcast_in_dim3A_9 masked %lt3A_164 : memref<100x128xf32, #tpu.memory_space<vmem>>[vector<16xi32>, vector<16xi32>], vector<16xf32>, vector<16xi1>
    %add3A_172 = arith.constant 0 : i32
    %add3A_173 = arith.addi %mul3A_2, %add3A_172 : i32
    %dma_start3A = arith.constant 0 : i32
    %dma_start3A_174 = arith.constant 0 : i32
    %dma_start3A_175 = tpu.memref_slice %arg3[%add3A_173, %dma_start3A, %dma_start3A_174] : memref<4096x100x128xf32, #tpu.memory_space<hbm>> -> memref<1x100x128xf32, #tpu.memory_space<hbm>>
    %dma_start3A_176 = tpu.memref_squeeze %dma_start3A_175 : memref<1x100x128xf32, #tpu.memory_space<hbm>> -> memref<100x128xf32, #tpu.memory_space<hbm>>
    %dma_start3A_177 = arith.constant 0 : i32
    %dma_start3A_178 = arith.constant 0 : i32
    %dma_start3A_179 = tpu.memref_slice %arg3[%add3A_173, %dma_start3A_177, %dma_start3A_178] : memref<4096x100x128xf32, #tpu.memory_space<hbm>> -> memref<1x100x128xf32, #tpu.memory_space<hbm>>
    %dma_start3A_180 = tpu.memref_squeeze %dma_start3A_179 : memref<1x100x128xf32, #tpu.memory_space<hbm>> -> memref<100x128xf32, #tpu.memory_space<hbm>>
    tpu.enqueue_dma source(%arg5 : memref<100x128xf32, #tpu.memory_space<vmem>>) target(%dma_start3A_180 : memref<100x128xf32, #tpu.memory_space<hbm>>) target_semaphore(%arg7 : memref<!tpu.dma_semaphore, #tpu.memory_space<semaphore_mem>>)
    %broadcast_in_dim3A_181 = arith.constant 1.000000e+00 : f32
    %broadcast_in_dim3A_182 = vector.broadcast %broadcast_in_dim3A_181 : f32 to vector<16xf32>
    %get3A_183 = arith.constant 1 : i32
    %get3A_184 = arith.index_cast %get3A_183 : i32 to index
    %get3A_185 = arith.constant 0 : index
    %get3A_186 = tpu.vector_load %arg4[%get3A_184, %get3A_185] {strides = array<i32>} : memref<128x128xf32, #tpu.memory_space<vmem>>, vector<16xf32>,
    %sub3A_187 = arith.constant 1.000000e+00 : f32
    %sub3A_188 = vector.broadcast %sub3A_187 : f32 to vector<16xf32>
    %sub3A_189 = arith.subf %sub3A_188, %get3A_186 : vector<16xf32>
    %mul3A_190 = arith.constant 1.000000e+02 : f32
    %mul3A_191 = vector.broadcast %mul3A_190 : f32 to vector<16xf32>
    %mul3A_192 = arith.mulf %sub3A_189, %mul3A_191 : vector<16xf32>
    %convert_element_type3A_193 = arith.fptosi %mul3A_192 : vector<16xf32> to vector<16xi32>
    %lt3A_194 = arith.constant 100 : i32
    %lt3A_195 = vector.broadcast %lt3A_194 : i32 to vector<16xi32>
    %lt3A_196 = arith.cmpi slt, %convert_element_type3A_193, %lt3A_195 : vector<16xi32>
    %min3A_197 = arith.constant 99 : i32
    %min3A_198 = vector.broadcast %min3A_197 : i32 to vector<16xi32>
    %min3A_199 = arith.minsi %convert_element_type3A_193, %min3A_198 : vector<16xi32>
    %iota3A_200 = tpu.iota {dimensions = array<i32: 0>} : vector<16xi32>
    %add3A_201 = arith.constant 0 : i32
    %add3A_202 = vector.broadcast %add3A_201 : i32 to vector<16xi32>
    %add3A_203 = arith.addi %iota3A_200, %add3A_202 : vector<16xi32>
    tpu.vector_store_idx %arg6[%min3A_199, %add3A_203], %broadcast_in_dim3A_182 masked %lt3A_196 : memref<100x128xf32, #tpu.memory_space<vmem>>[vector<16xi32>, vector<16xi32>], vector<16xf32>, vector<16xi1>
    %get3A_204 = arith.constant 1 : i32
    %get3A_205 = arith.index_cast %get3A_204 : i32 to index
    %get3A_206 = arith.constant 16 : index
    %get3A_207 = tpu.vector_load %arg4[%get3A_205, %get3A_206] {strides = array<i32>} : memref<128x128xf32, #tpu.memory_space<vmem>>, vector<16xf32>,
    %sub3A_208 = arith.constant 1.000000e+00 : f32
    %sub3A_209 = vector.broadcast %sub3A_208 : f32 to vector<16xf32>
    %sub3A_210 = arith.subf %sub3A_209, %get3A_207 : vector<16xf32>
    %mul3A_211 = arith.constant 1.000000e+02 : f32
    %mul3A_212 = vector.broadcast %mul3A_211 : f32 to vector<16xf32>
    %mul3A_213 = arith.mulf %sub3A_210, %mul3A_212 : vector<16xf32>
    %convert_element_type3A_214 = arith.fptosi %mul3A_213 : vector<16xf32> to vector<16xi32>
    %lt3A_215 = arith.constant 100 : i32
    %lt3A_216 = vector.broadcast %lt3A_215 : i32 to vector<16xi32>
    %lt3A_217 = arith.cmpi slt, %convert_element_type3A_214, %lt3A_216 : vector<16xi32>
    %min3A_218 = arith.constant 99 : i32
    %min3A_219 = vector.broadcast %min3A_218 : i32 to vector<16xi32>
    %min3A_220 = arith.minsi %convert_element_type3A_214, %min3A_219 : vector<16xi32>
    %iota3A_221 = tpu.iota {dimensions = array<i32: 0>} : vector<16xi32>
    %add3A_222 = arith.constant 16 : i32
    %add3A_223 = vector.broadcast %add3A_222 : i32 to vector<16xi32>
    %add3A_224 = arith.addi %iota3A_221, %add3A_223 : vector<16xi32>
    tpu.vector_store_idx %arg6[%min3A_220, %add3A_224], %broadcast_in_dim3A_182 masked %lt3A_217 : memref<100x128xf32, #tpu.memory_space<vmem>>[vector<16xi32>, vector<16xi32>], vector<16xf32>, vector<16xi1>
    %get3A_225 = arith.constant 1 : i32
    %get3A_226 = arith.index_cast %get3A_225 : i32 to index
    %get3A_227 = arith.constant 32 : index
    %get3A_228 = tpu.vector_load %arg4[%get3A_226, %get3A_227] {strides = array<i32>} : memref<128x128xf32, #tpu.memory_space<vmem>>, vector<16xf32>,
    %sub3A_229 = arith.constant 1.000000e+00 : f32
    %sub3A_230 = vector.broadcast %sub3A_229 : f32 to vector<16xf32>
    %sub3A_231 = arith.subf %sub3A_230, %get3A_228 : vector<16xf32>
    %mul3A_232 = arith.constant 1.000000e+02 : f32
    %mul3A_233 = vector.broadcast %mul3A_232 : f32 to vector<16xf32>
    %mul3A_234 = arith.mulf %sub3A_231, %mul3A_233 : vector<16xf32>
    %convert_element_type3A_235 = arith.fptosi %mul3A_234 : vector<16xf32> to vector<16xi32>
    %lt3A_236 = arith.constant 100 : i32
    %lt3A_237 = vector.broadcast %lt3A_236 : i32 to vector<16xi32>
    %lt3A_238 = arith.cmpi slt, %convert_element_type3A_235, %lt3A_237 : vector<16xi32>
    %min3A_239 = arith.constant 99 : i32
    %min3A_240 = vector.broadcast %min3A_239 : i32 to vector<16xi32>
    %min3A_241 = arith.minsi %convert_element_type3A_235, %min3A_240 : vector<16xi32>
    %iota3A_242 = tpu.iota {dimensions = array<i32: 0>} : vector<16xi32>
    %add3A_243 = arith.constant 32 : i32
    %add3A_244 = vector.broadcast %add3A_243 : i32 to vector<16xi32>
    %add3A_245 = arith.addi %iota3A_242, %add3A_244 : vector<16xi32>
    tpu.vector_store_idx %arg6[%min3A_241, %add3A_245], %broadcast_in_dim3A_182 masked %lt3A_238 : memref<100x128xf32, #tpu.memory_space<vmem>>[vector<16xi32>, vector<16xi32>], vector<16xf32>, vector<16xi1>
    %get3A_246 = arith.constant 1 : i32
    %get3A_247 = arith.index_cast %get3A_246 : i32 to index
    %get3A_248 = arith.constant 48 : index
    %get3A_249 = tpu.vector_load %arg4[%get3A_247, %get3A_248] {strides = array<i32>} : memref<128x128xf32, #tpu.memory_space<vmem>>, vector<16xf32>,
    %sub3A_250 = arith.constant 1.000000e+00 : f32
    %sub3A_251 = vector.broadcast %sub3A_250 : f32 to vector<16xf32>
    %sub3A_252 = arith.subf %sub3A_251, %get3A_249 : vector<16xf32>
    %mul3A_253 = arith.constant 1.000000e+02 : f32
    %mul3A_254 = vector.broadcast %mul3A_253 : f32 to vector<16xf32>
    %mul3A_255 = arith.mulf %sub3A_252, %mul3A_254 : vector<16xf32>
    %convert_element_type3A_256 = arith.fptosi %mul3A_255 : vector<16xf32> to vector<16xi32>
    %lt3A_257 = arith.constant 100 : i32
    %lt3A_258 = vector.broadcast %lt3A_257 : i32 to vector<16xi32>
    %lt3A_259 = arith.cmpi slt, %convert_element_type3A_256, %lt3A_258 : vector<16xi32>
    %min3A_260 = arith.constant 99 : i32
    %min3A_261 = vector.broadcast %min3A_260 : i32 to vector<16xi32>
    %min3A_262 = arith.minsi %convert_element_type3A_256, %min3A_261 : vector<16xi32>
    %iota3A_263 = tpu.iota {dimensions = array<i32: 0>} : vector<16xi32>
    %add3A_264 = arith.constant 48 : i32
    %add3A_265 = vector.broadcast %add3A_264 : i32 to vector<16xi32>
    %add3A_266 = arith.addi %iota3A_263, %add3A_265 : vector<16xi32>
    tpu.vector_store_idx %arg6[%min3A_262, %add3A_266], %broadcast_in_dim3A_182 masked %lt3A_259 : memref<100x128xf32, #tpu.memory_space<vmem>>[vector<16xi32>, vector<16xi32>], vector<16xf32>, vector<16xi1>
    %get3A_267 = arith.constant 1 : i32
    %get3A_268 = arith.index_cast %get3A_267 : i32 to index
    %get3A_269 = arith.constant 64 : index
    %get3A_270 = tpu.vector_load %arg4[%get3A_268, %get3A_269] {strides = array<i32>} : memref<128x128xf32, #tpu.memory_space<vmem>>, vector<16xf32>,
    %sub3A_271 = arith.constant 1.000000e+00 : f32
    %sub3A_272 = vector.broadcast %sub3A_271 : f32 to vector<16xf32>
    %sub3A_273 = arith.subf %sub3A_272, %get3A_270 : vector<16xf32>
    %mul3A_274 = arith.constant 1.000000e+02 : f32
    %mul3A_275 = vector.broadcast %mul3A_274 : f32 to vector<16xf32>
    %mul3A_276 = arith.mulf %sub3A_273, %mul3A_275 : vector<16xf32>
    %convert_element_type3A_277 = arith.fptosi %mul3A_276 : vector<16xf32> to vector<16xi32>
    %lt3A_278 = arith.constant 100 : i32
    %lt3A_279 = vector.broadcast %lt3A_278 : i32 to vector<16xi32>
    %lt3A_280 = arith.cmpi slt, %convert_element_type3A_277, %lt3A_279 : vector<16xi32>
    %min3A_281 = arith.constant 99 : i32
    %min3A_282 = vector.broadcast %min3A_281 : i32 to vector<16xi32>
    %min3A_283 = arith.minsi %convert_element_type3A_277, %min3A_282 : vector<16xi32>
    %iota3A_284 = tpu.iota {dimensions = array<i32: 0>} : vector<16xi32>
    %add3A_285 = arith.constant 64 : i32
    %add3A_286 = vector.broadcast %add3A_285 : i32 to vector<16xi32>
    %add3A_287 = arith.addi %iota3A_284, %add3A_286 : vector<16xi32>
    tpu.vector_store_idx %arg6[%min3A_283, %add3A_287], %broadcast_in_dim3A_182 masked %lt3A_280 : memref<100x128xf32, #tpu.memory_space<vmem>>[vector<16xi32>, vector<16xi32>], vector<16xf32>, vector<16xi1>
    %get3A_288 = arith.constant 1 : i32
    %get3A_289 = arith.index_cast %get3A_288 : i32 to index
    %get3A_290 = arith.constant 80 : index
    %get3A_291 = tpu.vector_load %arg4[%get3A_289, %get3A_290] {strides = array<i32>} : memref<128x128xf32, #tpu.memory_space<vmem>>, vector<16xf32>,
    %sub3A_292 = arith.constant 1.000000e+00 : f32
    %sub3A_293 = vector.broadcast %sub3A_292 : f32 to vector<16xf32>
    %sub3A_294 = arith.subf %sub3A_293, %get3A_291 : vector<16xf32>
    %mul3A_295 = arith.constant 1.000000e+02 : f32
    %mul3A_296 = vector.broadcast %mul3A_295 : f32 to vector<16xf32>
    %mul3A_297 = arith.mulf %sub3A_294, %mul3A_296 : vector<16xf32>
    %convert_element_type3A_298 = arith.fptosi %mul3A_297 : vector<16xf32> to vector<16xi32>
    %lt3A_299 = arith.constant 100 : i32
    %lt3A_300 = vector.broadcast %lt3A_299 : i32 to vector<16xi32>
    %lt3A_301 = arith.cmpi slt, %convert_element_type3A_298, %lt3A_300 : vector<16xi32>
    %min3A_302 = arith.constant 99 : i32
    %min3A_303 = vector.broadcast %min3A_302 : i32 to vector<16xi32>
    %min3A_304 = arith.minsi %convert_element_type3A_298, %min3A_303 : vector<16xi32>
    %iota3A_305 = tpu.iota {dimensions = array<i32: 0>} : vector<16xi32>
    %add3A_306 = arith.constant 80 : i32
    %add3A_307 = vector.broadcast %add3A_306 : i32 to vector<16xi32>
    %add3A_308 = arith.addi %iota3A_305, %add3A_307 : vector<16xi32>
    tpu.vector_store_idx %arg6[%min3A_304, %add3A_308], %broadcast_in_dim3A_182 masked %lt3A_301 : memref<100x128xf32, #tpu.memory_space<vmem>>[vector<16xi32>, vector<16xi32>], vector<16xf32>, vector<16xi1>
    %get3A_309 = arith.constant 1 : i32
    %get3A_310 = arith.index_cast %get3A_309 : i32 to index
    %get3A_311 = arith.constant 96 : index
    %get3A_312 = tpu.vector_load %arg4[%get3A_310, %get3A_311] {strides = array<i32>} : memref<128x128xf32, #tpu.memory_space<vmem>>, vector<16xf32>,
    %sub3A_313 = arith.constant 1.000000e+00 : f32
    %sub3A_314 = vector.broadcast %sub3A_313 : f32 to vector<16xf32>
    %sub3A_315 = arith.subf %sub3A_314, %get3A_312 : vector<16xf32>
    %mul3A_316 = arith.constant 1.000000e+02 : f32
    %mul3A_317 = vector.broadcast %mul3A_316 : f32 to vector<16xf32>
    %mul3A_318 = arith.mulf %sub3A_315, %mul3A_317 : vector<16xf32>
    %convert_element_type3A_319 = arith.fptosi %mul3A_318 : vector<16xf32> to vector<16xi32>
    %lt3A_320 = arith.constant 100 : i32
    %lt3A_321 = vector.broadcast %lt3A_320 : i32 to vector<16xi32>
    %lt3A_322 = arith.cmpi slt, %convert_element_type3A_319, %lt3A_321 : vector<16xi32>
    %min3A_323 = arith.constant 99 : i32
    %min3A_324 = vector.broadcast %min3A_323 : i32 to vector<16xi32>
    %min3A_325 = arith.minsi %convert_element_type3A_319, %min3A_324 : vector<16xi32>
    %iota3A_326 = tpu.iota {dimensions = array<i32: 0>} : vector<16xi32>
    %add3A_327 = arith.constant 96 : i32
    %add3A_328 = vector.broadcast %add3A_327 : i32 to vector<16xi32>
    %add3A_329 = arith.addi %iota3A_326, %add3A_328 : vector<16xi32>
    tpu.vector_store_idx %arg6[%min3A_325, %add3A_329], %broadcast_in_dim3A_182 masked %lt3A_322 : memref<100x128xf32, #tpu.memory_space<vmem>>[vector<16xi32>, vector<16xi32>], vector<16xf32>, vector<16xi1>
    %get3A_330 = arith.constant 1 : i32
    %get3A_331 = arith.index_cast %get3A_330 : i32 to index
    %get3A_332 = arith.constant 112 : index
    %get3A_333 = tpu.vector_load %arg4[%get3A_331, %get3A_332] {strides = array<i32>} : memref<128x128xf32, #tpu.memory_space<vmem>>, vector<16xf32>,
    %sub3A_334 = arith.constant 1.000000e+00 : f32
    %sub3A_335 = vector.broadcast %sub3A_334 : f32 to vector<16xf32>
    %sub3A_336 = arith.subf %sub3A_335, %get3A_333 : vector<16xf32>
    %mul3A_337 = arith.constant 1.000000e+02 : f32
    %mul3A_338 = vector.broadcast %mul3A_337 : f32 to vector<16xf32>
    %mul3A_339 = arith.mulf %sub3A_336, %mul3A_338 : vector<16xf32>
    %convert_element_type3A_340 = arith.fptosi %mul3A_339 : vector<16xf32> to vector<16xi32>
    %lt3A_341 = arith.constant 100 : i32
    %lt3A_342 = vector.broadcast %lt3A_341 : i32 to vector<16xi32>
    %lt3A_343 = arith.cmpi slt, %convert_element_type3A_340, %lt3A_342 : vector<16xi32>
    %min3A_344 = arith.constant 99 : i32
    %min3A_345 = vector.broadcast %min3A_344 : i32 to vector<16xi32>
    %min3A_346 = arith.minsi %convert_element_type3A_340, %min3A_345 : vector<16xi32>
    %iota3A_347 = tpu.iota {dimensions = array<i32: 0>} : vector<16xi32>
    %add3A_348 = arith.constant 112 : i32
    %add3A_349 = vector.broadcast %add3A_348 : i32 to vector<16xi32>
    %add3A_350 = arith.addi %iota3A_347, %add3A_349 : vector<16xi32>
    tpu.vector_store_idx %arg6[%min3A_346, %add3A_350], %broadcast_in_dim3A_182 masked %lt3A_343 : memref<100x128xf32, #tpu.memory_space<vmem>>[vector<16xi32>, vector<16xi32>], vector<16xf32>, vector<16xi1>
    %add3A_351 = arith.constant 1 : i32
    %add3A_352 = arith.addi %mul3A_2, %add3A_351 : i32
    %dma_start3A_353 = arith.constant 0 : i32
    %dma_start3A_354 = arith.constant 0 : i32
    %dma_start3A_355 = tpu.memref_slice %arg3[%add3A_352, %dma_start3A_353, %dma_start3A_354] : memref<4096x100x128xf32, #tpu.memory_space<hbm>> -> memref<1x100x128xf32, #tpu.memory_space<hbm>>
    %dma_start3A_356 = tpu.memref_squeeze %dma_start3A_355 : memref<1x100x128xf32, #tpu.memory_space<hbm>> -> memref<100x128xf32, #tpu.memory_space<hbm>>
    %dma_start3A_357 = arith.constant 0 : i32
    %dma_start3A_358 = arith.constant 0 : i32
    %dma_start3A_359 = tpu.memref_slice %arg3[%add3A_352, %dma_start3A_357, %dma_start3A_358] : memref<4096x100x128xf32, #tpu.memory_space<hbm>> -> memref<1x100x128xf32, #tpu.memory_space<hbm>>
    %dma_start3A_360 = tpu.memref_squeeze %dma_start3A_359 : memref<1x100x128xf32, #tpu.memory_space<hbm>> -> memref<100x128xf32, #tpu.memory_space<hbm>>
    tpu.enqueue_dma source(%arg6 : memref<100x128xf32, #tpu.memory_space<vmem>>) target(%dma_start3A_360 : memref<100x128xf32, #tpu.memory_space<hbm>>) target_semaphore(%arg8 : memref<!tpu.dma_semaphore, #tpu.memory_space<semaphore_mem>>)
    %scan3A_361 = arith.constant 0 : i32
    %scan3A_362 = arith.constant 1 : i32
    %scan3A_363 = arith.constant 63 : i32
    %scan3A_364 = arith.addi %scan3A_362, %scan3A_363 : i32
    %scan3A_365 = arith.constant 1 : i32
    %scan3A_366 = scf.for %scan3A_383 = %scan3A_362 to %scan3A_364 step %scan3A_365 iter_args(%scan3A_384 = %scan3A_361) -> (i32)  : i32 {
      %mul3A_385 = arith.constant 2 : i32
      %mul3A_386 = arith.muli %mul3A_385, %scan3A_383 : i32
      %add3A_387 = arith.constant 0 : i32
      %add3A_388 = arith.addi %mul3A_386, %add3A_387 : i32
      %dma_wait3A_389 = arith.constant 0 : i32
      %dma_wait3A_390 = arith.constant 0 : i32
      %dma_wait3A_391 = tpu.memref_slice %arg3[%mul3A_2, %dma_wait3A_389, %dma_wait3A_390] : memref<4096x100x128xf32, #tpu.memory_space<hbm>> -> memref<1x100x128xf32, #tpu.memory_space<hbm>>
      %dma_wait3A_392 = tpu.memref_squeeze %dma_wait3A_391 : memref<1x100x128xf32, #tpu.memory_space<hbm>> -> memref<100x128xf32, #tpu.memory_space<hbm>>
      %dma_wait3A_393 = arith.constant 0 : i32
      %dma_wait3A_394 = arith.constant 0 : i32
      %dma_wait3A_395 = tpu.memref_slice %arg3[%mul3A_2, %dma_wait3A_393, %dma_wait3A_394] : memref<4096x100x128xf32, #tpu.memory_space<hbm>> -> memref<1x100x128xf32, #tpu.memory_space<hbm>>
      %dma_wait3A_396 = tpu.memref_squeeze %dma_wait3A_395 : memref<1x100x128xf32, #tpu.memory_space<hbm>> -> memref<100x128xf32, #tpu.memory_space<hbm>>
      tpu.wait_dma2 semaphore(%arg7 : memref<!tpu.dma_semaphore, #tpu.memory_space<semaphore_mem>>) src(%arg5 : memref<100x128xf32, #tpu.memory_space<vmem>>) dst(%dma_wait3A_396 : memref<100x128xf32, #tpu.memory_space<hbm>>)
      %sub3A_397 = arith.constant 2 : i32
      %sub3A_398 = arith.subi %add3A_388, %sub3A_397 : i32
      %broadcast_in_dim3A_399 = arith.constant 0.000000e+00 : f32
      %broadcast_in_dim3A_400 = vector.broadcast %broadcast_in_dim3A_399 : f32 to vector<16xf32>
      %get3A_401 = arith.index_cast %sub3A_398 : i32 to index
      %get3A_402 = arith.constant 0 : index
      %get3A_403 = tpu.vector_load %arg4[%get3A_401, %get3A_402] {strides = array<i32>} : memref<128x128xf32, #tpu.memory_space<vmem>>, vector<16xf32>,
      %sub3A_404 = arith.constant 1.000000e+00 : f32
      %sub3A_405 = vector.broadcast %sub3A_404 : f32 to vector<16xf32>
      %sub3A_406 = arith.subf %sub3A_405, %get3A_403 : vector<16xf32>
      %mul3A_407 = arith.constant 1.000000e+02 : f32
      %mul3A_408 = vector.broadcast %mul3A_407 : f32 to vector<16xf32>
      %mul3A_409 = arith.mulf %sub3A_406, %mul3A_408 : vector<16xf32>
      %convert_element_type3A_410 = arith.fptosi %mul3A_409 : vector<16xf32> to vector<16xi32>
      %lt3A_411 = arith.constant 100 : i32
      %lt3A_412 = vector.broadcast %lt3A_411 : i32 to vector<16xi32>
      %lt3A_413 = arith.cmpi slt, %convert_element_type3A_410, %lt3A_412 : vector<16xi32>
      %min3A_414 = arith.constant 99 : i32
      %min3A_415 = vector.broadcast %min3A_414 : i32 to vector<16xi32>
      %min3A_416 = arith.minsi %convert_element_type3A_410, %min3A_415 : vector<16xi32>
      %iota3A_417 = tpu.iota {dimensions = array<i32: 0>} : vector<16xi32>
      %add3A_418 = arith.constant 0 : i32
      %add3A_419 = vector.broadcast %add3A_418 : i32 to vector<16xi32>
      %add3A_420 = arith.addi %iota3A_417, %add3A_419 : vector<16xi32>
      tpu.vector_store_idx %arg5[%min3A_416, %add3A_420], %broadcast_in_dim3A_400 masked %lt3A_413 : memref<100x128xf32, #tpu.memory_space<vmem>>[vector<16xi32>, vector<16xi32>], vector<16xf32>, vector<16xi1>
      %get3A_421 = arith.index_cast %sub3A_398 : i32 to index
      %get3A_422 = arith.constant 16 : index
      %get3A_423 = tpu.vector_load %arg4[%get3A_421, %get3A_422] {strides = array<i32>} : memref<128x128xf32, #tpu.memory_space<vmem>>, vector<16xf32>,
      %sub3A_424 = arith.constant 1.000000e+00 : f32
      %sub3A_425 = vector.broadcast %sub3A_424 : f32 to vector<16xf32>
      %sub3A_426 = arith.subf %sub3A_425, %get3A_423 : vector<16xf32>
      %mul3A_427 = arith.constant 1.000000e+02 : f32
      %mul3A_428 = vector.broadcast %mul3A_427 : f32 to vector<16xf32>
      %mul3A_429 = arith.mulf %sub3A_426, %mul3A_428 : vector<16xf32>
      %convert_element_type3A_430 = arith.fptosi %mul3A_429 : vector<16xf32> to vector<16xi32>
      %lt3A_431 = arith.constant 100 : i32
      %lt3A_432 = vector.broadcast %lt3A_431 : i32 to vector<16xi32>
      %lt3A_433 = arith.cmpi slt, %convert_element_type3A_430, %lt3A_432 : vector<16xi32>
      %min3A_434 = arith.constant 99 : i32
      %min3A_435 = vector.broadcast %min3A_434 : i32 to vector<16xi32>
      %min3A_436 = arith.minsi %convert_element_type3A_430, %min3A_435 : vector<16xi32>
      %iota3A_437 = tpu.iota {dimensions = array<i32: 0>} : vector<16xi32>
      %add3A_438 = arith.constant 16 : i32
      %add3A_439 = vector.broadcast %add3A_438 : i32 to vector<16xi32>
      %add3A_440 = arith.addi %iota3A_437, %add3A_439 : vector<16xi32>
      tpu.vector_store_idx %arg5[%min3A_436, %add3A_440], %broadcast_in_dim3A_400 masked %lt3A_433 : memref<100x128xf32, #tpu.memory_space<vmem>>[vector<16xi32>, vector<16xi32>], vector<16xf32>, vector<16xi1>
      %get3A_441 = arith.index_cast %sub3A_398 : i32 to index
      %get3A_442 = arith.constant 32 : index
      %get3A_443 = tpu.vector_load %arg4[%get3A_441, %get3A_442] {strides = array<i32>} : memref<128x128xf32, #tpu.memory_space<vmem>>, vector<16xf32>,
      %sub3A_444 = arith.constant 1.000000e+00 : f32
      %sub3A_445 = vector.broadcast %sub3A_444 : f32 to vector<16xf32>
      %sub3A_446 = arith.subf %sub3A_445, %get3A_443 : vector<16xf32>
      %mul3A_447 = arith.constant 1.000000e+02 : f32
      %mul3A_448 = vector.broadcast %mul3A_447 : f32 to vector<16xf32>
      %mul3A_449 = arith.mulf %sub3A_446, %mul3A_448 : vector<16xf32>
      %convert_element_type3A_450 = arith.fptosi %mul3A_449 : vector<16xf32> to vector<16xi32>
      %lt3A_451 = arith.constant 100 : i32
      %lt3A_452 = vector.broadcast %lt3A_451 : i32 to vector<16xi32>
      %lt3A_453 = arith.cmpi slt, %convert_element_type3A_450, %lt3A_452 : vector<16xi32>
      %min3A_454 = arith.constant 99 : i32
      %min3A_455 = vector.broadcast %min3A_454 : i32 to vector<16xi32>
      %min3A_456 = arith.minsi %convert_element_type3A_450, %min3A_455 : vector<16xi32>
      %iota3A_457 = tpu.iota {dimensions = array<i32: 0>} : vector<16xi32>
      %add3A_458 = arith.constant 32 : i32
      %add3A_459 = vector.broadcast %add3A_458 : i32 to vector<16xi32>
      %add3A_460 = arith.addi %iota3A_457, %add3A_459 : vector<16xi32>
      tpu.vector_store_idx %arg5[%min3A_456, %add3A_460], %broadcast_in_dim3A_400 masked %lt3A_453 : memref<100x128xf32, #tpu.memory_space<vmem>>[vector<16xi32>, vector<16xi32>], vector<16xf32>, vector<16xi1>
      %get3A_461 = arith.index_cast %sub3A_398 : i32 to index
      %get3A_462 = arith.constant 48 : index
      %get3A_463 = tpu.vector_load %arg4[%get3A_461, %get3A_462] {strides = array<i32>} : memref<128x128xf32, #tpu.memory_space<vmem>>, vector<16xf32>,
      %sub3A_464 = arith.constant 1.000000e+00 : f32
      %sub3A_465 = vector.broadcast %sub3A_464 : f32 to vector<16xf32>
      %sub3A_466 = arith.subf %sub3A_465, %get3A_463 : vector<16xf32>
      %mul3A_467 = arith.constant 1.000000e+02 : f32
      %mul3A_468 = vector.broadcast %mul3A_467 : f32 to vector<16xf32>
      %mul3A_469 = arith.mulf %sub3A_466, %mul3A_468 : vector<16xf32>
      %convert_element_type3A_470 = arith.fptosi %mul3A_469 : vector<16xf32> to vector<16xi32>
      %lt3A_471 = arith.constant 100 : i32
      %lt3A_472 = vector.broadcast %lt3A_471 : i32 to vector<16xi32>
      %lt3A_473 = arith.cmpi slt, %convert_element_type3A_470, %lt3A_472 : vector<16xi32>
      %min3A_474 = arith.constant 99 : i32
      %min3A_475 = vector.broadcast %min3A_474 : i32 to vector<16xi32>
      %min3A_476 = arith.minsi %convert_element_type3A_470, %min3A_475 : vector<16xi32>
      %iota3A_477 = tpu.iota {dimensions = array<i32: 0>} : vector<16xi32>
      %add3A_478 = arith.constant 48 : i32
      %add3A_479 = vector.broadcast %add3A_478 : i32 to vector<16xi32>
      %add3A_480 = arith.addi %iota3A_477, %add3A_479 : vector<16xi32>
      tpu.vector_store_idx %arg5[%min3A_476, %add3A_480], %broadcast_in_dim3A_400 masked %lt3A_473 : memref<100x128xf32, #tpu.memory_space<vmem>>[vector<16xi32>, vector<16xi32>], vector<16xf32>, vector<16xi1>
      %get3A_481 = arith.index_cast %sub3A_398 : i32 to index
      %get3A_482 = arith.constant 64 : index
      %get3A_483 = tpu.vector_load %arg4[%get3A_481, %get3A_482] {strides = array<i32>} : memref<128x128xf32, #tpu.memory_space<vmem>>, vector<16xf32>,
      %sub3A_484 = arith.constant 1.000000e+00 : f32
      %sub3A_485 = vector.broadcast %sub3A_484 : f32 to vector<16xf32>
      %sub3A_486 = arith.subf %sub3A_485, %get3A_483 : vector<16xf32>
      %mul3A_487 = arith.constant 1.000000e+02 : f32
      %mul3A_488 = vector.broadcast %mul3A_487 : f32 to vector<16xf32>
      %mul3A_489 = arith.mulf %sub3A_486, %mul3A_488 : vector<16xf32>
      %convert_element_type3A_490 = arith.fptosi %mul3A_489 : vector<16xf32> to vector<16xi32>
      %lt3A_491 = arith.constant 100 : i32
      %lt3A_492 = vector.broadcast %lt3A_491 : i32 to vector<16xi32>
      %lt3A_493 = arith.cmpi slt, %convert_element_type3A_490, %lt3A_492 : vector<16xi32>
      %min3A_494 = arith.constant 99 : i32
      %min3A_495 = vector.broadcast %min3A_494 : i32 to vector<16xi32>
      %min3A_496 = arith.minsi %convert_element_type3A_490, %min3A_495 : vector<16xi32>
      %iota3A_497 = tpu.iota {dimensions = array<i32: 0>} : vector<16xi32>
      %add3A_498 = arith.constant 64 : i32
      %add3A_499 = vector.broadcast %add3A_498 : i32 to vector<16xi32>
      %add3A_500 = arith.addi %iota3A_497, %add3A_499 : vector<16xi32>
      tpu.vector_store_idx %arg5[%min3A_496, %add3A_500], %broadcast_in_dim3A_400 masked %lt3A_493 : memref<100x128xf32, #tpu.memory_space<vmem>>[vector<16xi32>, vector<16xi32>], vector<16xf32>, vector<16xi1>
      %get3A_501 = arith.index_cast %sub3A_398 : i32 to index
      %get3A_502 = arith.constant 80 : index
      %get3A_503 = tpu.vector_load %arg4[%get3A_501, %get3A_502] {strides = array<i32>} : memref<128x128xf32, #tpu.memory_space<vmem>>, vector<16xf32>,
      %sub3A_504 = arith.constant 1.000000e+00 : f32
      %sub3A_505 = vector.broadcast %sub3A_504 : f32 to vector<16xf32>
      %sub3A_506 = arith.subf %sub3A_505, %get3A_503 : vector<16xf32>
      %mul3A_507 = arith.constant 1.000000e+02 : f32
      %mul3A_508 = vector.broadcast %mul3A_507 : f32 to vector<16xf32>
      %mul3A_509 = arith.mulf %sub3A_506, %mul3A_508 : vector<16xf32>
      %convert_element_type3A_510 = arith.fptosi %mul3A_509 : vector<16xf32> to vector<16xi32>
      %lt3A_511 = arith.constant 100 : i32
      %lt3A_512 = vector.broadcast %lt3A_511 : i32 to vector<16xi32>
      %lt3A_513 = arith.cmpi slt, %convert_element_type3A_510, %lt3A_512 : vector<16xi32>
      %min3A_514 = arith.constant 99 : i32
      %min3A_515 = vector.broadcast %min3A_514 : i32 to vector<16xi32>
      %min3A_516 = arith.minsi %convert_element_type3A_510, %min3A_515 : vector<16xi32>
      %iota3A_517 = tpu.iota {dimensions = array<i32: 0>} : vector<16xi32>
      %add3A_518 = arith.constant 80 : i32
      %add3A_519 = vector.broadcast %add3A_518 : i32 to vector<16xi32>
      %add3A_520 = arith.addi %iota3A_517, %add3A_519 : vector<16xi32>
      tpu.vector_store_idx %arg5[%min3A_516, %add3A_520], %broadcast_in_dim3A_400 masked %lt3A_513 : memref<100x128xf32, #tpu.memory_space<vmem>>[vector<16xi32>, vector<16xi32>], vector<16xf32>, vector<16xi1>
      %get3A_521 = arith.index_cast %sub3A_398 : i32 to index
      %get3A_522 = arith.constant 96 : index
      %get3A_523 = tpu.vector_load %arg4[%get3A_521, %get3A_522] {strides = array<i32>} : memref<128x128xf32, #tpu.memory_space<vmem>>, vector<16xf32>,
      %sub3A_524 = arith.constant 1.000000e+00 : f32
      %sub3A_525 = vector.broadcast %sub3A_524 : f32 to vector<16xf32>
      %sub3A_526 = arith.subf %sub3A_525, %get3A_523 : vector<16xf32>
      %mul3A_527 = arith.constant 1.000000e+02 : f32
      %mul3A_528 = vector.broadcast %mul3A_527 : f32 to vector<16xf32>
      %mul3A_529 = arith.mulf %sub3A_526, %mul3A_528 : vector<16xf32>
      %convert_element_type3A_530 = arith.fptosi %mul3A_529 : vector<16xf32> to vector<16xi32>
      %lt3A_531 = arith.constant 100 : i32
      %lt3A_532 = vector.broadcast %lt3A_531 : i32 to vector<16xi32>
      %lt3A_533 = arith.cmpi slt, %convert_element_type3A_530, %lt3A_532 : vector<16xi32>
      %min3A_534 = arith.constant 99 : i32
      %min3A_535 = vector.broadcast %min3A_534 : i32 to vector<16xi32>
      %min3A_536 = arith.minsi %convert_element_type3A_530, %min3A_535 : vector<16xi32>
      %iota3A_537 = tpu.iota {dimensions = array<i32: 0>} : vector<16xi32>
      %add3A_538 = arith.constant 96 : i32
      %add3A_539 = vector.broadcast %add3A_538 : i32 to vector<16xi32>
      %add3A_540 = arith.addi %iota3A_537, %add3A_539 : vector<16xi32>
      tpu.vector_store_idx %arg5[%min3A_536, %add3A_540], %broadcast_in_dim3A_400 masked %lt3A_533 : memref<100x128xf32, #tpu.memory_space<vmem>>[vector<16xi32>, vector<16xi32>], vector<16xf32>, vector<16xi1>
      %get3A_541 = arith.index_cast %sub3A_398 : i32 to index
      %get3A_542 = arith.constant 112 : index
      %get3A_543 = tpu.vector_load %arg4[%get3A_541, %get3A_542] {strides = array<i32>} : memref<128x128xf32, #tpu.memory_space<vmem>>, vector<16xf32>,
      %sub3A_544 = arith.constant 1.000000e+00 : f32
      %sub3A_545 = vector.broadcast %sub3A_544 : f32 to vector<16xf32>
      %sub3A_546 = arith.subf %sub3A_545, %get3A_543 : vector<16xf32>
      %mul3A_547 = arith.constant 1.000000e+02 : f32
      %mul3A_548 = vector.broadcast %mul3A_547 : f32 to vector<16xf32>
      %mul3A_549 = arith.mulf %sub3A_546, %mul3A_548 : vector<16xf32>
      %convert_element_type3A_550 = arith.fptosi %mul3A_549 : vector<16xf32> to vector<16xi32>
      %lt3A_551 = arith.constant 100 : i32
      %lt3A_552 = vector.broadcast %lt3A_551 : i32 to vector<16xi32>
      %lt3A_553 = arith.cmpi slt, %convert_element_type3A_550, %lt3A_552 : vector<16xi32>
      %min3A_554 = arith.constant 99 : i32
      %min3A_555 = vector.broadcast %min3A_554 : i32 to vector<16xi32>
      %min3A_556 = arith.minsi %convert_element_type3A_550, %min3A_555 : vector<16xi32>
      %iota3A_557 = tpu.iota {dimensions = array<i32: 0>} : vector<16xi32>
      %add3A_558 = arith.constant 112 : i32
      %add3A_559 = vector.broadcast %add3A_558 : i32 to vector<16xi32>
      %add3A_560 = arith.addi %iota3A_557, %add3A_559 : vector<16xi32>
      tpu.vector_store_idx %arg5[%min3A_556, %add3A_560], %broadcast_in_dim3A_400 masked %lt3A_553 : memref<100x128xf32, #tpu.memory_space<vmem>>[vector<16xi32>, vector<16xi32>], vector<16xf32>, vector<16xi1>
      %broadcast_in_dim3A_561 = arith.constant 1.000000e+00 : f32
      %broadcast_in_dim3A_562 = vector.broadcast %broadcast_in_dim3A_561 : f32 to vector<16xf32>
      %get3A_563 = arith.index_cast %add3A_388 : i32 to index
      %get3A_564 = arith.constant 0 : index
      %get3A_565 = tpu.vector_load %arg4[%get3A_563, %get3A_564] {strides = array<i32>} : memref<128x128xf32, #tpu.memory_space<vmem>>, vector<16xf32>,
      %sub3A_566 = arith.constant 1.000000e+00 : f32
      %sub3A_567 = vector.broadcast %sub3A_566 : f32 to vector<16xf32>
      %sub3A_568 = arith.subf %sub3A_567, %get3A_565 : vector<16xf32>
      %mul3A_569 = arith.constant 1.000000e+02 : f32
      %mul3A_570 = vector.broadcast %mul3A_569 : f32 to vector<16xf32>
      %mul3A_571 = arith.mulf %sub3A_568, %mul3A_570 : vector<16xf32>
      %convert_element_type3A_572 = arith.fptosi %mul3A_571 : vector<16xf32> to vector<16xi32>
      %lt3A_573 = arith.constant 100 : i32
      %lt3A_574 = vector.broadcast %lt3A_573 : i32 to vector<16xi32>
      %lt3A_575 = arith.cmpi slt, %convert_element_type3A_572, %lt3A_574 : vector<16xi32>
      %min3A_576 = arith.constant 99 : i32
      %min3A_577 = vector.broadcast %min3A_576 : i32 to vector<16xi32>
      %min3A_578 = arith.minsi %convert_element_type3A_572, %min3A_577 : vector<16xi32>
      %iota3A_579 = tpu.iota {dimensions = array<i32: 0>} : vector<16xi32>
      %add3A_580 = arith.constant 0 : i32
      %add3A_581 = vector.broadcast %add3A_580 : i32 to vector<16xi32>
      %add3A_582 = arith.addi %iota3A_579, %add3A_581 : vector<16xi32>
      tpu.vector_store_idx %arg5[%min3A_578, %add3A_582], %broadcast_in_dim3A_562 masked %lt3A_575 : memref<100x128xf32, #tpu.memory_space<vmem>>[vector<16xi32>, vector<16xi32>], vector<16xf32>, vector<16xi1>
      %get3A_583 = arith.index_cast %add3A_388 : i32 to index
      %get3A_584 = arith.constant 16 : index
      %get3A_585 = tpu.vector_load %arg4[%get3A_583, %get3A_584] {strides = array<i32>} : memref<128x128xf32, #tpu.memory_space<vmem>>, vector<16xf32>,
      %sub3A_586 = arith.constant 1.000000e+00 : f32
      %sub3A_587 = vector.broadcast %sub3A_586 : f32 to vector<16xf32>
      %sub3A_588 = arith.subf %sub3A_587, %get3A_585 : vector<16xf32>
      %mul3A_589 = arith.constant 1.000000e+02 : f32
      %mul3A_590 = vector.broadcast %mul3A_589 : f32 to vector<16xf32>
      %mul3A_591 = arith.mulf %sub3A_588, %mul3A_590 : vector<16xf32>
      %convert_element_type3A_592 = arith.fptosi %mul3A_591 : vector<16xf32> to vector<16xi32>
      %lt3A_593 = arith.constant 100 : i32
      %lt3A_594 = vector.broadcast %lt3A_593 : i32 to vector<16xi32>
      %lt3A_595 = arith.cmpi slt, %convert_element_type3A_592, %lt3A_594 : vector<16xi32>
      %min3A_596 = arith.constant 99 : i32
      %min3A_597 = vector.broadcast %min3A_596 : i32 to vector<16xi32>
      %min3A_598 = arith.minsi %convert_element_type3A_592, %min3A_597 : vector<16xi32>
      %iota3A_599 = tpu.iota {dimensions = array<i32: 0>} : vector<16xi32>
      %add3A_600 = arith.constant 16 : i32
      %add3A_601 = vector.broadcast %add3A_600 : i32 to vector<16xi32>
      %add3A_602 = arith.addi %iota3A_599, %add3A_601 : vector<16xi32>
      tpu.vector_store_idx %arg5[%min3A_598, %add3A_602], %broadcast_in_dim3A_562 masked %lt3A_595 : memref<100x128xf32, #tpu.memory_space<vmem>>[vector<16xi32>, vector<16xi32>], vector<16xf32>, vector<16xi1>
      %get3A_603 = arith.index_cast %add3A_388 : i32 to index
      %get3A_604 = arith.constant 32 : index
      %get3A_605 = tpu.vector_load %arg4[%get3A_603, %get3A_604] {strides = array<i32>} : memref<128x128xf32, #tpu.memory_space<vmem>>, vector<16xf32>,
      %sub3A_606 = arith.constant 1.000000e+00 : f32
      %sub3A_607 = vector.broadcast %sub3A_606 : f32 to vector<16xf32>
      %sub3A_608 = arith.subf %sub3A_607, %get3A_605 : vector<16xf32>
      %mul3A_609 = arith.constant 1.000000e+02 : f32
      %mul3A_610 = vector.broadcast %mul3A_609 : f32 to vector<16xf32>
      %mul3A_611 = arith.mulf %sub3A_608, %mul3A_610 : vector<16xf32>
      %convert_element_type3A_612 = arith.fptosi %mul3A_611 : vector<16xf32> to vector<16xi32>
      %lt3A_613 = arith.constant 100 : i32
      %lt3A_614 = vector.broadcast %lt3A_613 : i32 to vector<16xi32>
      %lt3A_615 = arith.cmpi slt, %convert_element_type3A_612, %lt3A_614 : vector<16xi32>
      %min3A_616 = arith.constant 99 : i32
      %min3A_617 = vector.broadcast %min3A_616 : i32 to vector<16xi32>
      %min3A_618 = arith.minsi %convert_element_type3A_612, %min3A_617 : vector<16xi32>
      %iota3A_619 = tpu.iota {dimensions = array<i32: 0>} : vector<16xi32>
      %add3A_620 = arith.constant 32 : i32
      %add3A_621 = vector.broadcast %add3A_620 : i32 to vector<16xi32>
      %add3A_622 = arith.addi %iota3A_619, %add3A_621 : vector<16xi32>
      tpu.vector_store_idx %arg5[%min3A_618, %add3A_622], %broadcast_in_dim3A_562 masked %lt3A_615 : memref<100x128xf32, #tpu.memory_space<vmem>>[vector<16xi32>, vector<16xi32>], vector<16xf32>, vector<16xi1>
      %get3A_623 = arith.index_cast %add3A_388 : i32 to index
      %get3A_624 = arith.constant 48 : index
      %get3A_625 = tpu.vector_load %arg4[%get3A_623, %get3A_624] {strides = array<i32>} : memref<128x128xf32, #tpu.memory_space<vmem>>, vector<16xf32>,
      %sub3A_626 = arith.constant 1.000000e+00 : f32
      %sub3A_627 = vector.broadcast %sub3A_626 : f32 to vector<16xf32>
      %sub3A_628 = arith.subf %sub3A_627, %get3A_625 : vector<16xf32>
      %mul3A_629 = arith.constant 1.000000e+02 : f32
      %mul3A_630 = vector.broadcast %mul3A_629 : f32 to vector<16xf32>
      %mul3A_631 = arith.mulf %sub3A_628, %mul3A_630 : vector<16xf32>
      %convert_element_type3A_632 = arith.fptosi %mul3A_631 : vector<16xf32> to vector<16xi32>
      %lt3A_633 = arith.constant 100 : i32
      %lt3A_634 = vector.broadcast %lt3A_633 : i32 to vector<16xi32>
      %lt3A_635 = arith.cmpi slt, %convert_element_type3A_632, %lt3A_634 : vector<16xi32>
      %min3A_636 = arith.constant 99 : i32
      %min3A_637 = vector.broadcast %min3A_636 : i32 to vector<16xi32>
      %min3A_638 = arith.minsi %convert_element_type3A_632, %min3A_637 : vector<16xi32>
      %iota3A_639 = tpu.iota {dimensions = array<i32: 0>} : vector<16xi32>
      %add3A_640 = arith.constant 48 : i32
      %add3A_641 = vector.broadcast %add3A_640 : i32 to vector<16xi32>
      %add3A_642 = arith.addi %iota3A_639, %add3A_641 : vector<16xi32>
      tpu.vector_store_idx %arg5[%min3A_638, %add3A_642], %broadcast_in_dim3A_562 masked %lt3A_635 : memref<100x128xf32, #tpu.memory_space<vmem>>[vector<16xi32>, vector<16xi32>], vector<16xf32>, vector<16xi1>
      %get3A_643 = arith.index_cast %add3A_388 : i32 to index
      %get3A_644 = arith.constant 64 : index
      %get3A_645 = tpu.vector_load %arg4[%get3A_643, %get3A_644] {strides = array<i32>} : memref<128x128xf32, #tpu.memory_space<vmem>>, vector<16xf32>,
      %sub3A_646 = arith.constant 1.000000e+00 : f32
      %sub3A_647 = vector.broadcast %sub3A_646 : f32 to vector<16xf32>
      %sub3A_648 = arith.subf %sub3A_647, %get3A_645 : vector<16xf32>
      %mul3A_649 = arith.constant 1.000000e+02 : f32
      %mul3A_650 = vector.broadcast %mul3A_649 : f32 to vector<16xf32>
      %mul3A_651 = arith.mulf %sub3A_648, %mul3A_650 : vector<16xf32>
      %convert_element_type3A_652 = arith.fptosi %mul3A_651 : vector<16xf32> to vector<16xi32>
      %lt3A_653 = arith.constant 100 : i32
      %lt3A_654 = vector.broadcast %lt3A_653 : i32 to vector<16xi32>
      %lt3A_655 = arith.cmpi slt, %convert_element_type3A_652, %lt3A_654 : vector<16xi32>
      %min3A_656 = arith.constant 99 : i32
      %min3A_657 = vector.broadcast %min3A_656 : i32 to vector<16xi32>
      %min3A_658 = arith.minsi %convert_element_type3A_652, %min3A_657 : vector<16xi32>
      %iota3A_659 = tpu.iota {dimensions = array<i32: 0>} : vector<16xi32>
      %add3A_660 = arith.constant 64 : i32
      %add3A_661 = vector.broadcast %add3A_660 : i32 to vector<16xi32>
      %add3A_662 = arith.addi %iota3A_659, %add3A_661 : vector<16xi32>
      tpu.vector_store_idx %arg5[%min3A_658, %add3A_662], %broadcast_in_dim3A_562 masked %lt3A_655 : memref<100x128xf32, #tpu.memory_space<vmem>>[vector<16xi32>, vector<16xi32>], vector<16xf32>, vector<16xi1>
      %get3A_663 = arith.index_cast %add3A_388 : i32 to index
      %get3A_664 = arith.constant 80 : index
      %get3A_665 = tpu.vector_load %arg4[%get3A_663, %get3A_664] {strides = array<i32>} : memref<128x128xf32, #tpu.memory_space<vmem>>, vector<16xf32>,
      %sub3A_666 = arith.constant 1.000000e+00 : f32
      %sub3A_667 = vector.broadcast %sub3A_666 : f32 to vector<16xf32>
      %sub3A_668 = arith.subf %sub3A_667, %get3A_665 : vector<16xf32>
      %mul3A_669 = arith.constant 1.000000e+02 : f32
      %mul3A_670 = vector.broadcast %mul3A_669 : f32 to vector<16xf32>
      %mul3A_671 = arith.mulf %sub3A_668, %mul3A_670 : vector<16xf32>
      %convert_element_type3A_672 = arith.fptosi %mul3A_671 : vector<16xf32> to vector<16xi32>
      %lt3A_673 = arith.constant 100 : i32
      %lt3A_674 = vector.broadcast %lt3A_673 : i32 to vector<16xi32>
      %lt3A_675 = arith.cmpi slt, %convert_element_type3A_672, %lt3A_674 : vector<16xi32>
      %min3A_676 = arith.constant 99 : i32
      %min3A_677 = vector.broadcast %min3A_676 : i32 to vector<16xi32>
      %min3A_678 = arith.minsi %convert_element_type3A_672, %min3A_677 : vector<16xi32>
      %iota3A_679 = tpu.iota {dimensions = array<i32: 0>} : vector<16xi32>
      %add3A_680 = arith.constant 80 : i32
      %add3A_681 = vector.broadcast %add3A_680 : i32 to vector<16xi32>
      %add3A_682 = arith.addi %iota3A_679, %add3A_681 : vector<16xi32>
      tpu.vector_store_idx %arg5[%min3A_678, %add3A_682], %broadcast_in_dim3A_562 masked %lt3A_675 : memref<100x128xf32, #tpu.memory_space<vmem>>[vector<16xi32>, vector<16xi32>], vector<16xf32>, vector<16xi1>
      %get3A_683 = arith.index_cast %add3A_388 : i32 to index
      %get3A_684 = arith.constant 96 : index
      %get3A_685 = tpu.vector_load %arg4[%get3A_683, %get3A_684] {strides = array<i32>} : memref<128x128xf32, #tpu.memory_space<vmem>>, vector<16xf32>,
      %sub3A_686 = arith.constant 1.000000e+00 : f32
      %sub3A_687 = vector.broadcast %sub3A_686 : f32 to vector<16xf32>
      %sub3A_688 = arith.subf %sub3A_687, %get3A_685 : vector<16xf32>
      %mul3A_689 = arith.constant 1.000000e+02 : f32
      %mul3A_690 = vector.broadcast %mul3A_689 : f32 to vector<16xf32>
      %mul3A_691 = arith.mulf %sub3A_688, %mul3A_690 : vector<16xf32>
      %convert_element_type3A_692 = arith.fptosi %mul3A_691 : vector<16xf32> to vector<16xi32>
      %lt3A_693 = arith.constant 100 : i32
      %lt3A_694 = vector.broadcast %lt3A_693 : i32 to vector<16xi32>
      %lt3A_695 = arith.cmpi slt, %convert_element_type3A_692, %lt3A_694 : vector<16xi32>
      %min3A_696 = arith.constant 99 : i32
      %min3A_697 = vector.broadcast %min3A_696 : i32 to vector<16xi32>
      %min3A_698 = arith.minsi %convert_element_type3A_692, %min3A_697 : vector<16xi32>
      %iota3A_699 = tpu.iota {dimensions = array<i32: 0>} : vector<16xi32>
      %add3A_700 = arith.constant 96 : i32
      %add3A_701 = vector.broadcast %add3A_700 : i32 to vector<16xi32>
      %add3A_702 = arith.addi %iota3A_699, %add3A_701 : vector<16xi32>
      tpu.vector_store_idx %arg5[%min3A_698, %add3A_702], %broadcast_in_dim3A_562 masked %lt3A_695 : memref<100x128xf32, #tpu.memory_space<vmem>>[vector<16xi32>, vector<16xi32>], vector<16xf32>, vector<16xi1>
      %get3A_703 = arith.index_cast %add3A_388 : i32 to index
      %get3A_704 = arith.constant 112 : index
      %get3A_705 = tpu.vector_load %arg4[%get3A_703, %get3A_704] {strides = array<i32>} : memref<128x128xf32, #tpu.memory_space<vmem>>, vector<16xf32>,
      %sub3A_706 = arith.constant 1.000000e+00 : f32
      %sub3A_707 = vector.broadcast %sub3A_706 : f32 to vector<16xf32>
      %sub3A_708 = arith.subf %sub3A_707, %get3A_705 : vector<16xf32>
      %mul3A_709 = arith.constant 1.000000e+02 : f32
      %mul3A_710 = vector.broadcast %mul3A_709 : f32 to vector<16xf32>
      %mul3A_711 = arith.mulf %sub3A_708, %mul3A_710 : vector<16xf32>
      %convert_element_type3A_712 = arith.fptosi %mul3A_711 : vector<16xf32> to vector<16xi32>
      %lt3A_713 = arith.constant 100 : i32
      %lt3A_714 = vector.broadcast %lt3A_713 : i32 to vector<16xi32>
      %lt3A_715 = arith.cmpi slt, %convert_element_type3A_712, %lt3A_714 : vector<16xi32>
      %min3A_716 = arith.constant 99 : i32
      %min3A_717 = vector.broadcast %min3A_716 : i32 to vector<16xi32>
      %min3A_718 = arith.minsi %convert_element_type3A_712, %min3A_717 : vector<16xi32>
      %iota3A_719 = tpu.iota {dimensions = array<i32: 0>} : vector<16xi32>
      %add3A_720 = arith.constant 112 : i32
      %add3A_721 = vector.broadcast %add3A_720 : i32 to vector<16xi32>
      %add3A_722 = arith.addi %iota3A_719, %add3A_721 : vector<16xi32>
      tpu.vector_store_idx %arg5[%min3A_718, %add3A_722], %broadcast_in_dim3A_562 masked %lt3A_715 : memref<100x128xf32, #tpu.memory_space<vmem>>[vector<16xi32>, vector<16xi32>], vector<16xf32>, vector<16xi1>
      %add3A_723 = arith.addi %mul3A_2, %add3A_388 : i32
      %dma_start3A_724 = arith.constant 0 : i32
      %dma_start3A_725 = arith.constant 0 : i32
      %dma_start3A_726 = tpu.memref_slice %arg3[%add3A_723, %dma_start3A_724, %dma_start3A_725] : memref<4096x100x128xf32, #tpu.memory_space<hbm>> -> memref<1x100x128xf32, #tpu.memory_space<hbm>>
      %dma_start3A_727 = tpu.memref_squeeze %dma_start3A_726 : memref<1x100x128xf32, #tpu.memory_space<hbm>> -> memref<100x128xf32, #tpu.memory_space<hbm>>
      %dma_start3A_728 = arith.constant 0 : i32
      %dma_start3A_729 = arith.constant 0 : i32
      %dma_start3A_730 = tpu.memref_slice %arg3[%add3A_723, %dma_start3A_728, %dma_start3A_729] : memref<4096x100x128xf32, #tpu.memory_space<hbm>> -> memref<1x100x128xf32, #tpu.memory_space<hbm>>
      %dma_start3A_731 = tpu.memref_squeeze %dma_start3A_730 : memref<1x100x128xf32, #tpu.memory_space<hbm>> -> memref<100x128xf32, #tpu.memory_space<hbm>>
      tpu.enqueue_dma source(%arg5 : memref<100x128xf32, #tpu.memory_space<vmem>>) target(%dma_start3A_731 : memref<100x128xf32, #tpu.memory_space<hbm>>) target_semaphore(%arg7 : memref<!tpu.dma_semaphore, #tpu.memory_space<semaphore_mem>>)
      %add3A_732 = arith.constant 1 : i32
      %add3A_733 = arith.addi %mul3A_386, %add3A_732 : i32
      %dma_wait3A_734 = arith.constant 0 : i32
      %dma_wait3A_735 = arith.constant 0 : i32
      %dma_wait3A_736 = tpu.memref_slice %arg3[%mul3A_2, %dma_wait3A_734, %dma_wait3A_735] : memref<4096x100x128xf32, #tpu.memory_space<hbm>> -> memref<1x100x128xf32, #tpu.memory_space<hbm>>
      %dma_wait3A_737 = tpu.memref_squeeze %dma_wait3A_736 : memref<1x100x128xf32, #tpu.memory_space<hbm>> -> memref<100x128xf32, #tpu.memory_space<hbm>>
      %dma_wait3A_738 = arith.constant 0 : i32
      %dma_wait3A_739 = arith.constant 0 : i32
      %dma_wait3A_740 = tpu.memref_slice %arg3[%mul3A_2, %dma_wait3A_738, %dma_wait3A_739] : memref<4096x100x128xf32, #tpu.memory_space<hbm>> -> memref<1x100x128xf32, #tpu.memory_space<hbm>>
      %dma_wait3A_741 = tpu.memref_squeeze %dma_wait3A_740 : memref<1x100x128xf32, #tpu.memory_space<hbm>> -> memref<100x128xf32, #tpu.memory_space<hbm>>
      tpu.wait_dma2 semaphore(%arg8 : memref<!tpu.dma_semaphore, #tpu.memory_space<semaphore_mem>>) src(%arg6 : memref<100x128xf32, #tpu.memory_space<vmem>>) dst(%dma_wait3A_741 : memref<100x128xf32, #tpu.memory_space<hbm>>)
      %sub3A_742 = arith.constant 2 : i32
      %sub3A_743 = arith.subi %add3A_733, %sub3A_742 : i32
      %broadcast_in_dim3A_744 = arith.constant 0.000000e+00 : f32
      %broadcast_in_dim3A_745 = vector.broadcast %broadcast_in_dim3A_744 : f32 to vector<16xf32>
      %get3A_746 = arith.index_cast %sub3A_743 : i32 to index
      %get3A_747 = arith.constant 0 : index
      %get3A_748 = tpu.vector_load %arg4[%get3A_746, %get3A_747] {strides = array<i32>} : memref<128x128xf32, #tpu.memory_space<vmem>>, vector<16xf32>,
      %sub3A_749 = arith.constant 1.000000e+00 : f32
      %sub3A_750 = vector.broadcast %sub3A_749 : f32 to vector<16xf32>
      %sub3A_751 = arith.subf %sub3A_750, %get3A_748 : vector<16xf32>
      %mul3A_752 = arith.constant 1.000000e+02 : f32
      %mul3A_753 = vector.broadcast %mul3A_752 : f32 to vector<16xf32>
      %mul3A_754 = arith.mulf %sub3A_751, %mul3A_753 : vector<16xf32>
      %convert_element_type3A_755 = arith.fptosi %mul3A_754 : vector<16xf32> to vector<16xi32>
      %lt3A_756 = arith.constant 100 : i32
      %lt3A_757 = vector.broadcast %lt3A_756 : i32 to vector<16xi32>
      %lt3A_758 = arith.cmpi slt, %convert_element_type3A_755, %lt3A_757 : vector<16xi32>
      %min3A_759 = arith.constant 99 : i32
      %min3A_760 = vector.broadcast %min3A_759 : i32 to vector<16xi32>
      %min3A_761 = arith.minsi %convert_element_type3A_755, %min3A_760 : vector<16xi32>
      %iota3A_762 = tpu.iota {dimensions = array<i32: 0>} : vector<16xi32>
      %add3A_763 = arith.constant 0 : i32
      %add3A_764 = vector.broadcast %add3A_763 : i32 to vector<16xi32>
      %add3A_765 = arith.addi %iota3A_762, %add3A_764 : vector<16xi32>
      tpu.vector_store_idx %arg6[%min3A_761, %add3A_765], %broadcast_in_dim3A_745 masked %lt3A_758 : memref<100x128xf32, #tpu.memory_space<vmem>>[vector<16xi32>, vector<16xi32>], vector<16xf32>, vector<16xi1>
      %get3A_766 = arith.index_cast %sub3A_743 : i32 to index
      %get3A_767 = arith.constant 16 : index
      %get3A_768 = tpu.vector_load %arg4[%get3A_766, %get3A_767] {strides = array<i32>} : memref<128x128xf32, #tpu.memory_space<vmem>>, vector<16xf32>,
      %sub3A_769 = arith.constant 1.000000e+00 : f32
      %sub3A_770 = vector.broadcast %sub3A_769 : f32 to vector<16xf32>
      %sub3A_771 = arith.subf %sub3A_770, %get3A_768 : vector<16xf32>
      %mul3A_772 = arith.constant 1.000000e+02 : f32
      %mul3A_773 = vector.broadcast %mul3A_772 : f32 to vector<16xf32>
      %mul3A_774 = arith.mulf %sub3A_771, %mul3A_773 : vector<16xf32>
      %convert_element_type3A_775 = arith.fptosi %mul3A_774 : vector<16xf32> to vector<16xi32>
      %lt3A_776 = arith.constant 100 : i32
      %lt3A_777 = vector.broadcast %lt3A_776 : i32 to vector<16xi32>
      %lt3A_778 = arith.cmpi slt, %convert_element_type3A_775, %lt3A_777 : vector<16xi32>
      %min3A_779 = arith.constant 99 : i32
      %min3A_780 = vector.broadcast %min3A_779 : i32 to vector<16xi32>
      %min3A_781 = arith.minsi %convert_element_type3A_775, %min3A_780 : vector<16xi32>
      %iota3A_782 = tpu.iota {dimensions = array<i32: 0>} : vector<16xi32>
      %add3A_783 = arith.constant 16 : i32
      %add3A_784 = vector.broadcast %add3A_783 : i32 to vector<16xi32>
      %add3A_785 = arith.addi %iota3A_782, %add3A_784 : vector<16xi32>
      tpu.vector_store_idx %arg6[%min3A_781, %add3A_785], %broadcast_in_dim3A_745 masked %lt3A_778 : memref<100x128xf32, #tpu.memory_space<vmem>>[vector<16xi32>, vector<16xi32>], vector<16xf32>, vector<16xi1>
      %get3A_786 = arith.index_cast %sub3A_743 : i32 to index
      %get3A_787 = arith.constant 32 : index
      %get3A_788 = tpu.vector_load %arg4[%get3A_786, %get3A_787] {strides = array<i32>} : memref<128x128xf32, #tpu.memory_space<vmem>>, vector<16xf32>,
      %sub3A_789 = arith.constant 1.000000e+00 : f32
      %sub3A_790 = vector.broadcast %sub3A_789 : f32 to vector<16xf32>
      %sub3A_791 = arith.subf %sub3A_790, %get3A_788 : vector<16xf32>
      %mul3A_792 = arith.constant 1.000000e+02 : f32
      %mul3A_793 = vector.broadcast %mul3A_792 : f32 to vector<16xf32>
      %mul3A_794 = arith.mulf %sub3A_791, %mul3A_793 : vector<16xf32>
      %convert_element_type3A_795 = arith.fptosi %mul3A_794 : vector<16xf32> to vector<16xi32>
      %lt3A_796 = arith.constant 100 : i32
      %lt3A_797 = vector.broadcast %lt3A_796 : i32 to vector<16xi32>
      %lt3A_798 = arith.cmpi slt, %convert_element_type3A_795, %lt3A_797 : vector<16xi32>
      %min3A_799 = arith.constant 99 : i32
      %min3A_800 = vector.broadcast %min3A_799 : i32 to vector<16xi32>
      %min3A_801 = arith.minsi %convert_element_type3A_795, %min3A_800 : vector<16xi32>
      %iota3A_802 = tpu.iota {dimensions = array<i32: 0>} : vector<16xi32>
      %add3A_803 = arith.constant 32 : i32
      %add3A_804 = vector.broadcast %add3A_803 : i32 to vector<16xi32>
      %add3A_805 = arith.addi %iota3A_802, %add3A_804 : vector<16xi32>
      tpu.vector_store_idx %arg6[%min3A_801, %add3A_805], %broadcast_in_dim3A_745 masked %lt3A_798 : memref<100x128xf32, #tpu.memory_space<vmem>>[vector<16xi32>, vector<16xi32>], vector<16xf32>, vector<16xi1>
      %get3A_806 = arith.index_cast %sub3A_743 : i32 to index
      %get3A_807 = arith.constant 48 : index
      %get3A_808 = tpu.vector_load %arg4[%get3A_806, %get3A_807] {strides = array<i32>} : memref<128x128xf32, #tpu.memory_space<vmem>>, vector<16xf32>,
      %sub3A_809 = arith.constant 1.000000e+00 : f32
      %sub3A_810 = vector.broadcast %sub3A_809 : f32 to vector<16xf32>
      %sub3A_811 = arith.subf %sub3A_810, %get3A_808 : vector<16xf32>
      %mul3A_812 = arith.constant 1.000000e+02 : f32
      %mul3A_813 = vector.broadcast %mul3A_812 : f32 to vector<16xf32>
      %mul3A_814 = arith.mulf %sub3A_811, %mul3A_813 : vector<16xf32>
      %convert_element_type3A_815 = arith.fptosi %mul3A_814 : vector<16xf32> to vector<16xi32>
      %lt3A_816 = arith.constant 100 : i32
      %lt3A_817 = vector.broadcast %lt3A_816 : i32 to vector<16xi32>
      %lt3A_818 = arith.cmpi slt, %convert_element_type3A_815, %lt3A_817 : vector<16xi32>
      %min3A_819 = arith.constant 99 : i32
      %min3A_820 = vector.broadcast %min3A_819 : i32 to vector<16xi32>
      %min3A_821 = arith.minsi %convert_element_type3A_815, %min3A_820 : vector<16xi32>
      %iota3A_822 = tpu.iota {dimensions = array<i32: 0>} : vector<16xi32>
      %add3A_823 = arith.constant 48 : i32
      %add3A_824 = vector.broadcast %add3A_823 : i32 to vector<16xi32>
      %add3A_825 = arith.addi %iota3A_822, %add3A_824 : vector<16xi32>
      tpu.vector_store_idx %arg6[%min3A_821, %add3A_825], %broadcast_in_dim3A_745 masked %lt3A_818 : memref<100x128xf32, #tpu.memory_space<vmem>>[vector<16xi32>, vector<16xi32>], vector<16xf32>, vector<16xi1>
      %get3A_826 = arith.index_cast %sub3A_743 : i32 to index
      %get3A_827 = arith.constant 64 : index
      %get3A_828 = tpu.vector_load %arg4[%get3A_826, %get3A_827] {strides = array<i32>} : memref<128x128xf32, #tpu.memory_space<vmem>>, vector<16xf32>,
      %sub3A_829 = arith.constant 1.000000e+00 : f32
      %sub3A_830 = vector.broadcast %sub3A_829 : f32 to vector<16xf32>
      %sub3A_831 = arith.subf %sub3A_830, %get3A_828 : vector<16xf32>
      %mul3A_832 = arith.constant 1.000000e+02 : f32
      %mul3A_833 = vector.broadcast %mul3A_832 : f32 to vector<16xf32>
      %mul3A_834 = arith.mulf %sub3A_831, %mul3A_833 : vector<16xf32>
      %convert_element_type3A_835 = arith.fptosi %mul3A_834 : vector<16xf32> to vector<16xi32>
      %lt3A_836 = arith.constant 100 : i32
      %lt3A_837 = vector.broadcast %lt3A_836 : i32 to vector<16xi32>
      %lt3A_838 = arith.cmpi slt, %convert_element_type3A_835, %lt3A_837 : vector<16xi32>
      %min3A_839 = arith.constant 99 : i32
      %min3A_840 = vector.broadcast %min3A_839 : i32 to vector<16xi32>
      %min3A_841 = arith.minsi %convert_element_type3A_835, %min3A_840 : vector<16xi32>
      %iota3A_842 = tpu.iota {dimensions = array<i32: 0>} : vector<16xi32>
      %add3A_843 = arith.constant 64 : i32
      %add3A_844 = vector.broadcast %add3A_843 : i32 to vector<16xi32>
      %add3A_845 = arith.addi %iota3A_842, %add3A_844 : vector<16xi32>
      tpu.vector_store_idx %arg6[%min3A_841, %add3A_845], %broadcast_in_dim3A_745 masked %lt3A_838 : memref<100x128xf32, #tpu.memory_space<vmem>>[vector<16xi32>, vector<16xi32>], vector<16xf32>, vector<16xi1>
      %get3A_846 = arith.index_cast %sub3A_743 : i32 to index
      %get3A_847 = arith.constant 80 : index
      %get3A_848 = tpu.vector_load %arg4[%get3A_846, %get3A_847] {strides = array<i32>} : memref<128x128xf32, #tpu.memory_space<vmem>>, vector<16xf32>,
      %sub3A_849 = arith.constant 1.000000e+00 : f32
      %sub3A_850 = vector.broadcast %sub3A_849 : f32 to vector<16xf32>
      %sub3A_851 = arith.subf %sub3A_850, %get3A_848 : vector<16xf32>
      %mul3A_852 = arith.constant 1.000000e+02 : f32
      %mul3A_853 = vector.broadcast %mul3A_852 : f32 to vector<16xf32>
      %mul3A_854 = arith.mulf %sub3A_851, %mul3A_853 : vector<16xf32>
      %convert_element_type3A_855 = arith.fptosi %mul3A_854 : vector<16xf32> to vector<16xi32>
      %lt3A_856 = arith.constant 100 : i32
      %lt3A_857 = vector.broadcast %lt3A_856 : i32 to vector<16xi32>
      %lt3A_858 = arith.cmpi slt, %convert_element_type3A_855, %lt3A_857 : vector<16xi32>
      %min3A_859 = arith.constant 99 : i32
      %min3A_860 = vector.broadcast %min3A_859 : i32 to vector<16xi32>
      %min3A_861 = arith.minsi %convert_element_type3A_855, %min3A_860 : vector<16xi32>
      %iota3A_862 = tpu.iota {dimensions = array<i32: 0>} : vector<16xi32>
      %add3A_863 = arith.constant 80 : i32
      %add3A_864 = vector.broadcast %add3A_863 : i32 to vector<16xi32>
      %add3A_865 = arith.addi %iota3A_862, %add3A_864 : vector<16xi32>
      tpu.vector_store_idx %arg6[%min3A_861, %add3A_865], %broadcast_in_dim3A_745 masked %lt3A_858 : memref<100x128xf32, #tpu.memory_space<vmem>>[vector<16xi32>, vector<16xi32>], vector<16xf32>, vector<16xi1>
      %get3A_866 = arith.index_cast %sub3A_743 : i32 to index
      %get3A_867 = arith.constant 96 : index
      %get3A_868 = tpu.vector_load %arg4[%get3A_866, %get3A_867] {strides = array<i32>} : memref<128x128xf32, #tpu.memory_space<vmem>>, vector<16xf32>,
      %sub3A_869 = arith.constant 1.000000e+00 : f32
      %sub3A_870 = vector.broadcast %sub3A_869 : f32 to vector<16xf32>
      %sub3A_871 = arith.subf %sub3A_870, %get3A_868 : vector<16xf32>
      %mul3A_872 = arith.constant 1.000000e+02 : f32
      %mul3A_873 = vector.broadcast %mul3A_872 : f32 to vector<16xf32>
      %mul3A_874 = arith.mulf %sub3A_871, %mul3A_873 : vector<16xf32>
      %convert_element_type3A_875 = arith.fptosi %mul3A_874 : vector<16xf32> to vector<16xi32>
      %lt3A_876 = arith.constant 100 : i32
      %lt3A_877 = vector.broadcast %lt3A_876 : i32 to vector<16xi32>
      %lt3A_878 = arith.cmpi slt, %convert_element_type3A_875, %lt3A_877 : vector<16xi32>
      %min3A_879 = arith.constant 99 : i32
      %min3A_880 = vector.broadcast %min3A_879 : i32 to vector<16xi32>
      %min3A_881 = arith.minsi %convert_element_type3A_875, %min3A_880 : vector<16xi32>
      %iota3A_882 = tpu.iota {dimensions = array<i32: 0>} : vector<16xi32>
      %add3A_883 = arith.constant 96 : i32
      %add3A_884 = vector.broadcast %add3A_883 : i32 to vector<16xi32>
      %add3A_885 = arith.addi %iota3A_882, %add3A_884 : vector<16xi32>
      tpu.vector_store_idx %arg6[%min3A_881, %add3A_885], %broadcast_in_dim3A_745 masked %lt3A_878 : memref<100x128xf32, #tpu.memory_space<vmem>>[vector<16xi32>, vector<16xi32>], vector<16xf32>, vector<16xi1>
      %get3A_886 = arith.index_cast %sub3A_743 : i32 to index
      %get3A_887 = arith.constant 112 : index
      %get3A_888 = tpu.vector_load %arg4[%get3A_886, %get3A_887] {strides = array<i32>} : memref<128x128xf32, #tpu.memory_space<vmem>>, vector<16xf32>,
      %sub3A_889 = arith.constant 1.000000e+00 : f32
      %sub3A_890 = vector.broadcast %sub3A_889 : f32 to vector<16xf32>
      %sub3A_891 = arith.subf %sub3A_890, %get3A_888 : vector<16xf32>
      %mul3A_892 = arith.constant 1.000000e+02 : f32
      %mul3A_893 = vector.broadcast %mul3A_892 : f32 to vector<16xf32>
      %mul3A_894 = arith.mulf %sub3A_891, %mul3A_893 : vector<16xf32>
      %convert_element_type3A_895 = arith.fptosi %mul3A_894 : vector<16xf32> to vector<16xi32>
      %lt3A_896 = arith.constant 100 : i32
      %lt3A_897 = vector.broadcast %lt3A_896 : i32 to vector<16xi32>
      %lt3A_898 = arith.cmpi slt, %convert_element_type3A_895, %lt3A_897 : vector<16xi32>
      %min3A_899 = arith.constant 99 : i32
      %min3A_900 = vector.broadcast %min3A_899 : i32 to vector<16xi32>
      %min3A_901 = arith.minsi %convert_element_type3A_895, %min3A_900 : vector<16xi32>
      %iota3A_902 = tpu.iota {dimensions = array<i32: 0>} : vector<16xi32>
      %add3A_903 = arith.constant 112 : i32
      %add3A_904 = vector.broadcast %add3A_903 : i32 to vector<16xi32>
      %add3A_905 = arith.addi %iota3A_902, %add3A_904 : vector<16xi32>
      tpu.vector_store_idx %arg6[%min3A_901, %add3A_905], %broadcast_in_dim3A_745 masked %lt3A_898 : memref<100x128xf32, #tpu.memory_space<vmem>>[vector<16xi32>, vector<16xi32>], vector<16xf32>, vector<16xi1>
      %broadcast_in_dim3A_906 = arith.constant 1.000000e+00 : f32
      %broadcast_in_dim3A_907 = vector.broadcast %broadcast_in_dim3A_906 : f32 to vector<16xf32>
      %get3A_908 = arith.index_cast %add3A_733 : i32 to index
      %get3A_909 = arith.constant 0 : index
      %get3A_910 = tpu.vector_load %arg4[%get3A_908, %get3A_909] {strides = array<i32>} : memref<128x128xf32, #tpu.memory_space<vmem>>, vector<16xf32>,
      %sub3A_911 = arith.constant 1.000000e+00 : f32
      %sub3A_912 = vector.broadcast %sub3A_911 : f32 to vector<16xf32>
      %sub3A_913 = arith.subf %sub3A_912, %get3A_910 : vector<16xf32>
      %mul3A_914 = arith.constant 1.000000e+02 : f32
      %mul3A_915 = vector.broadcast %mul3A_914 : f32 to vector<16xf32>
      %mul3A_916 = arith.mulf %sub3A_913, %mul3A_915 : vector<16xf32>
      %convert_element_type3A_917 = arith.fptosi %mul3A_916 : vector<16xf32> to vector<16xi32>
      %lt3A_918 = arith.constant 100 : i32
      %lt3A_919 = vector.broadcast %lt3A_918 : i32 to vector<16xi32>
      %lt3A_920 = arith.cmpi slt, %convert_element_type3A_917, %lt3A_919 : vector<16xi32>
      %min3A_921 = arith.constant 99 : i32
      %min3A_922 = vector.broadcast %min3A_921 : i32 to vector<16xi32>
      %min3A_923 = arith.minsi %convert_element_type3A_917, %min3A_922 : vector<16xi32>
      %iota3A_924 = tpu.iota {dimensions = array<i32: 0>} : vector<16xi32>
      %add3A_925 = arith.constant 0 : i32
      %add3A_926 = vector.broadcast %add3A_925 : i32 to vector<16xi32>
      %add3A_927 = arith.addi %iota3A_924, %add3A_926 : vector<16xi32>
      tpu.vector_store_idx %arg6[%min3A_923, %add3A_927], %broadcast_in_dim3A_907 masked %lt3A_920 : memref<100x128xf32, #tpu.memory_space<vmem>>[vector<16xi32>, vector<16xi32>], vector<16xf32>, vector<16xi1>
      %get3A_928 = arith.index_cast %add3A_733 : i32 to index
      %get3A_929 = arith.constant 16 : index
      %get3A_930 = tpu.vector_load %arg4[%get3A_928, %get3A_929] {strides = array<i32>} : memref<128x128xf32, #tpu.memory_space<vmem>>, vector<16xf32>,
      %sub3A_931 = arith.constant 1.000000e+00 : f32
      %sub3A_932 = vector.broadcast %sub3A_931 : f32 to vector<16xf32>
      %sub3A_933 = arith.subf %sub3A_932, %get3A_930 : vector<16xf32>
      %mul3A_934 = arith.constant 1.000000e+02 : f32
      %mul3A_935 = vector.broadcast %mul3A_934 : f32 to vector<16xf32>
      %mul3A_936 = arith.mulf %sub3A_933, %mul3A_935 : vector<16xf32>
      %convert_element_type3A_937 = arith.fptosi %mul3A_936 : vector<16xf32> to vector<16xi32>
      %lt3A_938 = arith.constant 100 : i32
      %lt3A_939 = vector.broadcast %lt3A_938 : i32 to vector<16xi32>
      %lt3A_940 = arith.cmpi slt, %convert_element_type3A_937, %lt3A_939 : vector<16xi32>
      %min3A_941 = arith.constant 99 : i32
      %min3A_942 = vector.broadcast %min3A_941 : i32 to vector<16xi32>
      %min3A_943 = arith.minsi %convert_element_type3A_937, %min3A_942 : vector<16xi32>
      %iota3A_944 = tpu.iota {dimensions = array<i32: 0>} : vector<16xi32>
      %add3A_945 = arith.constant 16 : i32
      %add3A_946 = vector.broadcast %add3A_945 : i32 to vector<16xi32>
      %add3A_947 = arith.addi %iota3A_944, %add3A_946 : vector<16xi32>
      tpu.vector_store_idx %arg6[%min3A_943, %add3A_947], %broadcast_in_dim3A_907 masked %lt3A_940 : memref<100x128xf32, #tpu.memory_space<vmem>>[vector<16xi32>, vector<16xi32>], vector<16xf32>, vector<16xi1>
      %get3A_948 = arith.index_cast %add3A_733 : i32 to index
      %get3A_949 = arith.constant 32 : index
      %get3A_950 = tpu.vector_load %arg4[%get3A_948, %get3A_949] {strides = array<i32>} : memref<128x128xf32, #tpu.memory_space<vmem>>, vector<16xf32>,
      %sub3A_951 = arith.constant 1.000000e+00 : f32
      %sub3A_952 = vector.broadcast %sub3A_951 : f32 to vector<16xf32>
      %sub3A_953 = arith.subf %sub3A_952, %get3A_950 : vector<16xf32>
      %mul3A_954 = arith.constant 1.000000e+02 : f32
      %mul3A_955 = vector.broadcast %mul3A_954 : f32 to vector<16xf32>
      %mul3A_956 = arith.mulf %sub3A_953, %mul3A_955 : vector<16xf32>
      %convert_element_type3A_957 = arith.fptosi %mul3A_956 : vector<16xf32> to vector<16xi32>
      %lt3A_958 = arith.constant 100 : i32
      %lt3A_959 = vector.broadcast %lt3A_958 : i32 to vector<16xi32>
      %lt3A_960 = arith.cmpi slt, %convert_element_type3A_957, %lt3A_959 : vector<16xi32>
      %min3A_961 = arith.constant 99 : i32
      %min3A_962 = vector.broadcast %min3A_961 : i32 to vector<16xi32>
      %min3A_963 = arith.minsi %convert_element_type3A_957, %min3A_962 : vector<16xi32>
      %iota3A_964 = tpu.iota {dimensions = array<i32: 0>} : vector<16xi32>
      %add3A_965 = arith.constant 32 : i32
      %add3A_966 = vector.broadcast %add3A_965 : i32 to vector<16xi32>
      %add3A_967 = arith.addi %iota3A_964, %add3A_966 : vector<16xi32>
      tpu.vector_store_idx %arg6[%min3A_963, %add3A_967], %broadcast_in_dim3A_907 masked %lt3A_960 : memref<100x128xf32, #tpu.memory_space<vmem>>[vector<16xi32>, vector<16xi32>], vector<16xf32>, vector<16xi1>
      %get3A_968 = arith.index_cast %add3A_733 : i32 to index
      %get3A_969 = arith.constant 48 : index
      %get3A_970 = tpu.vector_load %arg4[%get3A_968, %get3A_969] {strides = array<i32>} : memref<128x128xf32, #tpu.memory_space<vmem>>, vector<16xf32>,
      %sub3A_971 = arith.constant 1.000000e+00 : f32
      %sub3A_972 = vector.broadcast %sub3A_971 : f32 to vector<16xf32>
      %sub3A_973 = arith.subf %sub3A_972, %get3A_970 : vector<16xf32>
      %mul3A_974 = arith.constant 1.000000e+02 : f32
      %mul3A_975 = vector.broadcast %mul3A_974 : f32 to vector<16xf32>
      %mul3A_976 = arith.mulf %sub3A_973, %mul3A_975 : vector<16xf32>
      %convert_element_type3A_977 = arith.fptosi %mul3A_976 : vector<16xf32> to vector<16xi32>
      %lt3A_978 = arith.constant 100 : i32
      %lt3A_979 = vector.broadcast %lt3A_978 : i32 to vector<16xi32>
      %lt3A_980 = arith.cmpi slt, %convert_element_type3A_977, %lt3A_979 : vector<16xi32>
      %min3A_981 = arith.constant 99 : i32
      %min3A_982 = vector.broadcast %min3A_981 : i32 to vector<16xi32>
      %min3A_983 = arith.minsi %convert_element_type3A_977, %min3A_982 : vector<16xi32>
      %iota3A_984 = tpu.iota {dimensions = array<i32: 0>} : vector<16xi32>
      %add3A_985 = arith.constant 48 : i32
      %add3A_986 = vector.broadcast %add3A_985 : i32 to vector<16xi32>
      %add3A_987 = arith.addi %iota3A_984, %add3A_986 : vector<16xi32>
      tpu.vector_store_idx %arg6[%min3A_983, %add3A_987], %broadcast_in_dim3A_907 masked %lt3A_980 : memref<100x128xf32, #tpu.memory_space<vmem>>[vector<16xi32>, vector<16xi32>], vector<16xf32>, vector<16xi1>
      %get3A_988 = arith.index_cast %add3A_733 : i32 to index
      %get3A_989 = arith.constant 64 : index
      %get3A_990 = tpu.vector_load %arg4[%get3A_988, %get3A_989] {strides = array<i32>} : memref<128x128xf32, #tpu.memory_space<vmem>>, vector<16xf32>,
      %sub3A_991 = arith.constant 1.000000e+00 : f32
      %sub3A_992 = vector.broadcast %sub3A_991 : f32 to vector<16xf32>
      %sub3A_993 = arith.subf %sub3A_992, %get3A_990 : vector<16xf32>
      %mul3A_994 = arith.constant 1.000000e+02 : f32
      %mul3A_995 = vector.broadcast %mul3A_994 : f32 to vector<16xf32>
      %mul3A_996 = arith.mulf %sub3A_993, %mul3A_995 : vector<16xf32>
      %convert_element_type3A_997 = arith.fptosi %mul3A_996 : vector<16xf32> to vector<16xi32>
      %lt3A_998 = arith.constant 100 : i32
      %lt3A_999 = vector.broadcast %lt3A_998 : i32 to vector<16xi32>
      %lt3A_1000 = arith.cmpi slt, %convert_element_type3A_997, %lt3A_999 : vector<16xi32>
      %min3A_1001 = arith.constant 99 : i32
      %min3A_1002 = vector.broadcast %min3A_1001 : i32 to vector<16xi32>
      %min3A_1003 = arith.minsi %convert_element_type3A_997, %min3A_1002 : vector<16xi32>
      %iota3A_1004 = tpu.iota {dimensions = array<i32: 0>} : vector<16xi32>
      %add3A_1005 = arith.constant 64 : i32
      %add3A_1006 = vector.broadcast %add3A_1005 : i32 to vector<16xi32>
      %add3A_1007 = arith.addi %iota3A_1004, %add3A_1006 : vector<16xi32>
      tpu.vector_store_idx %arg6[%min3A_1003, %add3A_1007], %broadcast_in_dim3A_907 masked %lt3A_1000 : memref<100x128xf32, #tpu.memory_space<vmem>>[vector<16xi32>, vector<16xi32>], vector<16xf32>, vector<16xi1>
      %get3A_1008 = arith.index_cast %add3A_733 : i32 to index
      %get3A_1009 = arith.constant 80 : index
      %get3A_1010 = tpu.vector_load %arg4[%get3A_1008, %get3A_1009] {strides = array<i32>} : memref<128x128xf32, #tpu.memory_space<vmem>>, vector<16xf32>,
      %sub3A_1011 = arith.constant 1.000000e+00 : f32
      %sub3A_1012 = vector.broadcast %sub3A_1011 : f32 to vector<16xf32>
      %sub3A_1013 = arith.subf %sub3A_1012, %get3A_1010 : vector<16xf32>
      %mul3A_1014 = arith.constant 1.000000e+02 : f32
      %mul3A_1015 = vector.broadcast %mul3A_1014 : f32 to vector<16xf32>
      %mul3A_1016 = arith.mulf %sub3A_1013, %mul3A_1015 : vector<16xf32>
      %convert_element_type3A_1017 = arith.fptosi %mul3A_1016 : vector<16xf32> to vector<16xi32>
      %lt3A_1018 = arith.constant 100 : i32
      %lt3A_1019 = vector.broadcast %lt3A_1018 : i32 to vector<16xi32>
      %lt3A_1020 = arith.cmpi slt, %convert_element_type3A_1017, %lt3A_1019 : vector<16xi32>
      %min3A_1021 = arith.constant 99 : i32
      %min3A_1022 = vector.broadcast %min3A_1021 : i32 to vector<16xi32>
      %min3A_1023 = arith.minsi %convert_element_type3A_1017, %min3A_1022 : vector<16xi32>
      %iota3A_1024 = tpu.iota {dimensions = array<i32: 0>} : vector<16xi32>
      %add3A_1025 = arith.constant 80 : i32
      %add3A_1026 = vector.broadcast %add3A_1025 : i32 to vector<16xi32>
      %add3A_1027 = arith.addi %iota3A_1024, %add3A_1026 : vector<16xi32>
      tpu.vector_store_idx %arg6[%min3A_1023, %add3A_1027], %broadcast_in_dim3A_907 masked %lt3A_1020 : memref<100x128xf32, #tpu.memory_space<vmem>>[vector<16xi32>, vector<16xi32>], vector<16xf32>, vector<16xi1>
      %get3A_1028 = arith.index_cast %add3A_733 : i32 to index
      %get3A_1029 = arith.constant 96 : index
      %get3A_1030 = tpu.vector_load %arg4[%get3A_1028, %get3A_1029] {strides = array<i32>} : memref<128x128xf32, #tpu.memory_space<vmem>>, vector<16xf32>,
      %sub3A_1031 = arith.constant 1.000000e+00 : f32
      %sub3A_1032 = vector.broadcast %sub3A_1031 : f32 to vector<16xf32>
      %sub3A_1033 = arith.subf %sub3A_1032, %get3A_1030 : vector<16xf32>
      %mul3A_1034 = arith.constant 1.000000e+02 : f32
      %mul3A_1035 = vector.broadcast %mul3A_1034 : f32 to vector<16xf32>
      %mul3A_1036 = arith.mulf %sub3A_1033, %mul3A_1035 : vector<16xf32>
      %convert_element_type3A_1037 = arith.fptosi %mul3A_1036 : vector<16xf32> to vector<16xi32>
      %lt3A_1038 = arith.constant 100 : i32
      %lt3A_1039 = vector.broadcast %lt3A_1038 : i32 to vector<16xi32>
      %lt3A_1040 = arith.cmpi slt, %convert_element_type3A_1037, %lt3A_1039 : vector<16xi32>
      %min3A_1041 = arith.constant 99 : i32
      %min3A_1042 = vector.broadcast %min3A_1041 : i32 to vector<16xi32>
      %min3A_1043 = arith.minsi %convert_element_type3A_1037, %min3A_1042 : vector<16xi32>
      %iota3A_1044 = tpu.iota {dimensions = array<i32: 0>} : vector<16xi32>
      %add3A_1045 = arith.constant 96 : i32
      %add3A_1046 = vector.broadcast %add3A_1045 : i32 to vector<16xi32>
      %add3A_1047 = arith.addi %iota3A_1044, %add3A_1046 : vector<16xi32>
      tpu.vector_store_idx %arg6[%min3A_1043, %add3A_1047], %broadcast_in_dim3A_907 masked %lt3A_1040 : memref<100x128xf32, #tpu.memory_space<vmem>>[vector<16xi32>, vector<16xi32>], vector<16xf32>, vector<16xi1>
      %get3A_1048 = arith.index_cast %add3A_733 : i32 to index
      %get3A_1049 = arith.constant 112 : index
      %get3A_1050 = tpu.vector_load %arg4[%get3A_1048, %get3A_1049] {strides = array<i32>} : memref<128x128xf32, #tpu.memory_space<vmem>>, vector<16xf32>,
      %sub3A_1051 = arith.constant 1.000000e+00 : f32
      %sub3A_1052 = vector.broadcast %sub3A_1051 : f32 to vector<16xf32>
      %sub3A_1053 = arith.subf %sub3A_1052, %get3A_1050 : vector<16xf32>
      %mul3A_1054 = arith.constant 1.000000e+02 : f32
      %mul3A_1055 = vector.broadcast %mul3A_1054 : f32 to vector<16xf32>
      %mul3A_1056 = arith.mulf %sub3A_1053, %mul3A_1055 : vector<16xf32>
      %convert_element_type3A_1057 = arith.fptosi %mul3A_1056 : vector<16xf32> to vector<16xi32>
      %lt3A_1058 = arith.constant 100 : i32
      %lt3A_1059 = vector.broadcast %lt3A_1058 : i32 to vector<16xi32>
      %lt3A_1060 = arith.cmpi slt, %convert_element_type3A_1057, %lt3A_1059 : vector<16xi32>
      %min3A_1061 = arith.constant 99 : i32
      %min3A_1062 = vector.broadcast %min3A_1061 : i32 to vector<16xi32>
      %min3A_1063 = arith.minsi %convert_element_type3A_1057, %min3A_1062 : vector<16xi32>
      %iota3A_1064 = tpu.iota {dimensions = array<i32: 0>} : vector<16xi32>
      %add3A_1065 = arith.constant 112 : i32
      %add3A_1066 = vector.broadcast %add3A_1065 : i32 to vector<16xi32>
      %add3A_1067 = arith.addi %iota3A_1064, %add3A_1066 : vector<16xi32>
      tpu.vector_store_idx %arg6[%min3A_1063, %add3A_1067], %broadcast_in_dim3A_907 masked %lt3A_1060 : memref<100x128xf32, #tpu.memory_space<vmem>>[vector<16xi32>, vector<16xi32>], vector<16xf32>, vector<16xi1>
      %add3A_1068 = arith.addi %mul3A_2, %add3A_733 : i32
      %dma_start3A_1069 = arith.constant 0 : i32
      %dma_start3A_1070 = arith.constant 0 : i32
      %dma_start3A_1071 = tpu.memref_slice %arg3[%add3A_1068, %dma_start3A_1069, %dma_start3A_1070] : memref<4096x100x128xf32, #tpu.memory_space<hbm>> -> memref<1x100x128xf32, #tpu.memory_space<hbm>>
      %dma_start3A_1072 = tpu.memref_squeeze %dma_start3A_1071 : memref<1x100x128xf32, #tpu.memory_space<hbm>> -> memref<100x128xf32, #tpu.memory_space<hbm>>
      %dma_start3A_1073 = arith.constant 0 : i32
      %dma_start3A_1074 = arith.constant 0 : i32
      %dma_start3A_1075 = tpu.memref_slice %arg3[%add3A_1068, %dma_start3A_1073, %dma_start3A_1074] : memref<4096x100x128xf32, #tpu.memory_space<hbm>> -> memref<1x100x128xf32, #tpu.memory_space<hbm>>
      %dma_start3A_1076 = tpu.memref_squeeze %dma_start3A_1075 : memref<1x100x128xf32, #tpu.memory_space<hbm>> -> memref<100x128xf32, #tpu.memory_space<hbm>>
      tpu.enqueue_dma source(%arg6 : memref<100x128xf32, #tpu.memory_space<vmem>>) target(%dma_start3A_1076 : memref<100x128xf32, #tpu.memory_space<hbm>>) target_semaphore(%arg8 : memref<!tpu.dma_semaphore, #tpu.memory_space<semaphore_mem>>)
      %scan3A_1077 = arith.constant 0 : i32
      scf.yield %scan3A_1077 : i32
    }
    %scan3A_367 = arith.constant 63 : i32
    %dma_wait3A = arith.constant 0 : i32
    %dma_wait3A_368 = arith.constant 0 : i32
    %dma_wait3A_369 = tpu.memref_slice %arg3[%mul3A_2, %dma_wait3A, %dma_wait3A_368] : memref<4096x100x128xf32, #tpu.memory_space<hbm>> -> memref<1x100x128xf32, #tpu.memory_space<hbm>>
    %dma_wait3A_370 = tpu.memref_squeeze %dma_wait3A_369 : memref<1x100x128xf32, #tpu.memory_space<hbm>> -> memref<100x128xf32, #tpu.memory_space<hbm>>
    %dma_wait3A_371 = arith.constant 0 : i32
    %dma_wait3A_372 = arith.constant 0 : i32
    %dma_wait3A_373 = tpu.memref_slice %arg3[%mul3A_2, %dma_wait3A_371, %dma_wait3A_372] : memref<4096x100x128xf32, #tpu.memory_space<hbm>> -> memref<1x100x128xf32, #tpu.memory_space<hbm>>
    %dma_wait3A_374 = tpu.memref_squeeze %dma_wait3A_373 : memref<1x100x128xf32, #tpu.memory_space<hbm>> -> memref<100x128xf32, #tpu.memory_space<hbm>>
    tpu.wait_dma2 semaphore(%arg7 : memref<!tpu.dma_semaphore, #tpu.memory_space<semaphore_mem>>) src(%arg5 : memref<100x128xf32, #tpu.memory_space<vmem>>) dst(%dma_wait3A_374 : memref<100x128xf32, #tpu.memory_space<hbm>>)
    %dma_wait3A_375 = arith.constant 0 : i32
    %dma_wait3A_376 = arith.constant 0 : i32
    %dma_wait3A_377 = tpu.memref_slice %arg3[%mul3A_2, %dma_wait3A_375, %dma_wait3A_376] : memref<4096x100x128xf32, #tpu.memory_space<hbm>> -> memref<1x100x128xf32, #tpu.memory_space<hbm>>
    %dma_wait3A_378 = tpu.memref_squeeze %dma_wait3A_377 : memref<1x100x128xf32, #tpu.memory_space<hbm>> -> memref<100x128xf32, #tpu.memory_space<hbm>>
    %dma_wait3A_379 = arith.constant 0 : i32
    %dma_wait3A_380 = arith.constant 0 : i32
    %dma_wait3A_381 = tpu.memref_slice %arg3[%mul3A_2, %dma_wait3A_379, %dma_wait3A_380] : memref<4096x100x128xf32, #tpu.memory_space<hbm>> -> memref<1x100x128xf32, #tpu.memory_space<hbm>>
    %dma_wait3A_382 = tpu.memref_squeeze %dma_wait3A_381 : memref<1x100x128xf32, #tpu.memory_space<hbm>> -> memref<100x128xf32, #tpu.memory_space<hbm>>
    tpu.wait_dma2 semaphore(%arg8 : memref<!tpu.dma_semaphore, #tpu.memory_space<semaphore_mem>>) src(%arg6 : memref<100x128xf32, #tpu.memory_space<vmem>>) dst(%dma_wait3A_382 : memref<100x128xf32, #tpu.memory_space<hbm>>)
    return
  }
}

</mosaic_0001>

<sc_bundles>
// kernel: kernel.3.cloned.1.call-start
scs
__scs_entry_jumppad:
0x0: {  	(pc) =	sbr.rel $0x88, $3  }
0x1: {  	(tag) =	ssettag $0x0;
	lr =	simm.s32 $0x1  }
0x2: {  	[smem:$0x3FA0] =	sst lr;
	_ =	strace $0xD0000000  }
0x3: {  	_ = 	snop  }
0x4: {  	_ = 	snop  }
0x5: {  	_ = 	snop  }
0x6: {  	_ = 	snop  }
0x7: {  	_ = 	snop  }
__scs_overlays_trampoline_lowered:
0x8: {  	[smem:$0x3FAF] =	sst s0  }
0x9: {  	[smem:$0x3FB0] =	sst s1  }
0xa: {  	[smem:$0x3FB1] =	sst s2  }
0xb: {  	[smem:$0x3FB2] =	sst s3  }
0xc: {  	[smem:$0x3FB3] =	sst s4  }
0xd: {  	[smem:$0x3FB4] =	sst s5  }
0xe: {  	[smem:$0x3FB5] =	sst s6  }
0xf: {  	[smem:$0x3FB6] =	sst s7  }
0x10: {  	[smem:$0x3FB7] =	sst s8  }
0x11: {  	[smem:$0x3FB8] =	sst s9;
	s0 =	simm.s32 @!p0 $0x0  }
0x12: {  	s1 =	sld [smem:$0x3F9E];
	s0 =	simm.s32 @p0 $0x1  }
0x13: {  	[smem:$0x3FB9] =	sst s0;
	s0 =	simm.s32 @!p1 $0x0  }
0x14: {  	s2 =	sld [smem:$0x3F9D];
	s0 =	simm.s32 @p1 $0x1  }
0x15: {  	[smem:$0x3FBA] =	sst s0;
	s0 =	simm.s32 @!p2 $0x0  }
0x16: {  	s3 =	sld [smem:$0x3FDB];
	s0 =	simm.s32 @p2 $0x1  }
0x17: {  	s4 =	simm.s32 $0x1BF5;
	[smem:$0x3FBC] =	sst s0  }
0x18: {  	s0 =	sld [smem:$0x3F9F];
	_ =	swait.ge [sflag:s4], $0x0  }
0x19: {  	s7 =	sld [smem:$0x3FA0]  }
0x1a: {  	s8 =	sadd.s32 $0xFFFFE003, lr  }
0x1b: {  	s9 =	sadd.s32 $0xFFFFFEF7, lr;
	s5 =	simm.s32 $0xFFFFFFFF;
	p2 =	slt.u32 s8, $0xFFFFF086  }
0x1c: {  	p1 =	slt.u32 s9, $0xF7A;
	s5 =	simm.s32 @!p2 $0x0  }
0x1d: {  	s5 =	simm.s32 @p1 $0x1;
	p0 =	seq.s32 s7, s2  }
0x1e: {  	s7 =	smul.u32 @!p0 $0xF7A, s2;
	p2 =	seq.s32 @!p0 s5, $0x0  }
0x1f: {  	s9 =	smul.u32 $0xF7A, s1;
	s8 =	simm.s32 @!p0 $0x1BF5;
	p2 =	por !p2, p0  }
0x20: {  	[sflag:s8] =	ssyncset.s32 @!p0 $0xFFFFF086;
	s6 =	sadd.s32 @!p0 s3, s7;
	s7 =	simm.s32 @!p0 $0x108  }
0x21: {  	s3 =	sadd.s32 s3, s9;
	s6 =	sadd.s32 @!p0 $0x88, s6;
	s7 =	simm.s32 @p2 $0x1082  }
0x22: {  	[simem:s7], [sflag:s8] =	dma.local @!p0 [hbm:s6], $0xF7A  }
0x23: {  	s9 =	sor.u32 $0xD0000000, s2;
	s6 =	simm.s32 $0x108;
	_ =	swait.ge @!p0 [sflag:s8], $0x0  }
0x24: {  	s3 =	sadd.s32 $0x88, s3;
	s6 =	simm.s32 @!p1 $0x1082;
	[sflag:s4] =	ssyncset.s32 $0xFFFFF086  }
0x25: {  	[simem:s6], [sflag:s4] =	dma.local [hbm:s3], $0xF7A  }
0x26: {  	[smem:$0x3FA0] =	sst s1;
	(tag) =	ssettag s2;
	_ =	strace s9  }
0x27: {  	s1 =	sld [smem:$0x3FB0]  }
0x28: {  	s2 =	sld [smem:$0x3FB1]  }
0x29: {  	s4 =	sld [smem:$0x3FB3]  }
0x2a: {  	p0 =	seq.s32 s5, $0x0;
	s5 =	sld [smem:$0x3FB4]  }
0x2b: {  	s6 =	sld [smem:$0x3FB5]  }
0x2c: {  	s7 =	sld [smem:$0x3FB6]  }
0x2d: {  	s3 =	simm.s32 $0x108;
	s8 =	sld [smem:$0x3FB7]  }
0x2e: {  	s3 =	simm.s32 @!p0 $0x1082;
	s9 =	sld [smem:$0x3FB8]  }
0x2f: {  	lr =	sadd.s32 s0, s3;
	s0 =	sld [smem:$0x3FAF]  }
0x30: {  	s3 =	sld [smem:$0x3FB2]  }
0x31: {  	[smem:$0x3FBB] =	sst s10  }
0x32: {  	s10 =	sld [smem:$0x3FB9];
	_ =	sdelay $0x3  }
0x33: {  	p0 =	seq.s32 s10, $0x1;
	s10 =	sld [smem:$0x3FBB];
	_ =	sdelay $0x3  }
0x34: {  	[smem:$0x3FBB] =	sst s10  }
0x35: {  	s10 =	sld [smem:$0x3FBA];
	_ =	sdelay $0x3  }
0x36: {  	p1 =	seq.s32 s10, $0x1;
	s10 =	sld [smem:$0x3FBB];
	_ =	sdelay $0x3  }
0x37: {  	[smem:$0x3FBB] =	sst s10  }
0x38: {  	s10 =	sld [smem:$0x3FBC]  }
0x39: {  	_ = 	snop;
	(pc) =	sbr.ind lr, $3  }
0x3a: {  	_ = 	snop  }
0x3b: {  	_ = 	snop  }
0x3c: {  	p2 =	seq.s32 s10, $0x1;
	s10 =	sld [smem:$0x3FBB]  }
0x3d: {  	_ =	shalt  }
0x3e: {  	_ =	shalt  }
0x3f: {  	_ =	shalt  }
0x40: {  	_ =	shalt  }
0x41: {  	_ =	shalt  }
0x42: {  	_ =	shalt  }
0x43: {  	_ =	shalt  }
0x44: {  	_ =	shalt  }
0x45: {  	_ =	shalt  }
0x46: {  	_ =	shalt  }
0x47: {  	_ =	shalt  }
0x48: {  	_ =	shalt  }
0x49: {  	_ =	shalt  }
0x4a: {  	_ =	shalt  }
0x4b: {  	_ =	shalt  }
0x4c: {  	_ =	shalt  }
0x4d: {  	_ =	shalt  }
0x4e: {  	_ =	shalt  }
0x4f: {  	_ =	shalt  }
0x50: {  	_ =	shalt  }
0x51: {  	_ =	shalt  }
0x52: {  	_ =	shalt  }
0x53: {  	_ =	shalt  }
0x54: {  	_ =	shalt  }
0x55: {  	_ =	shalt  }
0x56: {  	_ =	shalt  }
0x57: {  	_ =	shalt  }
0x58: {  	_ =	shalt  }
0x59: {  	_ =	shalt  }
0x5a: {  	_ =	shalt  }
0x5b: {  	_ =	shalt  }
0x5c: {  	_ =	shalt  }
0x5d: {  	_ =	shalt  }
0x5e: {  	_ =	shalt  }
0x5f: {  	_ =	shalt  }
0x60: {  	_ =	shalt  }
0x61: {  	_ =	shalt  }
0x62: {  	_ =	shalt  }
0x63: {  	_ =	shalt  }
0x64: {  	_ =	shalt  }
0x65: {  	_ =	shalt  }
0x66: {  	_ =	shalt  }
0x67: {  	_ =	shalt  }
0x68: {  	_ =	shalt  }
0x69: {  	_ =	shalt  }
0x6a: {  	_ =	shalt  }
0x6b: {  	_ =	shalt  }
0x6c: {  	_ =	shalt  }
0x6d: {  	_ =	shalt  }
0x6e: {  	_ =	shalt  }
0x6f: {  	_ =	shalt  }
0x70: {  	_ =	shalt  }
0x71: {  	_ =	shalt  }
0x72: {  	_ =	shalt  }
0x73: {  	_ =	shalt  }
0x74: {  	_ =	shalt  }
0x75: {  	_ =	shalt  }
0x76: {  	_ =	shalt  }
0x77: {  	_ =	shalt  }
0x78: {  	_ =	shalt  }
0x79: {  	_ =	shalt  }
0x7a: {  	_ =	shalt  }
0x7b: {  	_ =	shalt  }
0x7c: {  	_ =	shalt  }
0x7d: {  	_ =	shalt  }
0x7e: {  	_ =	shalt  }
0x7f: {  	_ =	shalt  }
0x80: {  	_ =	shalt  }
0x81: {  	_ =	shalt  }
0x82: {  	_ =	shalt  }
0x83: {  	_ =	shalt  }
0x84: {  	_ =	shalt  }
0x85: {  	_ =	shalt  }
0x86: {  	_ =	shalt  }
0x87: {  	_ =	shalt  }
.Lfunc_end0:
.L_simem_size_0:
called_computation_lowered:
.L_overlay_start_0:
0x88: {  	s2 =	sld [smem:$0x3FD9]  }
0x89: {  	s3 =	sld [smem:$0x3FFE];
	_ =	sdelay $0x1  }
0x8a: {  	s1 =	srdreg.scid  }
0x8b: {  	s0 =	sand.u32 $0x1, s1  }
0x8c: {  	s17 =	sshll.u32 s0, $0xA;
	s2 =	sadd.s32 s3, s2  }
0x8d: {  	s2 =	sadd.s32 s2, s17  }
0x8e: {  	[smem:$0x3FC7] =	sst s2  }
0x8f: {  	_ = 	snop  }
0x90: {  	s2 =	sld [smem:$0x3FC9];
	(tm) =	ssettm $0x1  }
0x91: {  	s18 =	sld [smem:$0x3FFB];
	_ =	sdelay $0x3  }
0x92: {  	_ =	strace s18  }
0x93: {  	s3 =	sld [smem:$0x3FFC];
	_ =	sdelay $0x3  }
0x94: {  	_ =	strace s3  }
0x95: {  	s3 =	sld [smem:$0x3FFD];
	_ =	sdelay $0x3  }
0x96: {  	_ =	strace s3  }
0x97: {  	_ =	strace $0x8FFFFFFF  }
0x98: {  	s19 =	sld [smem:$0x3FDB];
	_ =	sdelay $0x1  }
0x99: {  	s4 =	simm.s32 $_scs_section_size  }
0x9a: {  	s5 =	simm.s32 $_size__tile_overlayer_lowered;
	s6 =	simm.s32 $_tile_overlayer_lowered  }
0x9b: {  	s22 =	simm.s32 $0x1BFF;
	s21 =	sshll.u32 s6, $0x1;
	s3 =	sadd.s32 s4, s19  }
0x9c: {  	s7 =	simm.s32 $0x0;
	s20 =	sshll.u32 s5, $0x1;
	s5 =	sadd.s32 s21, s3  }
0x9d: {  	[timem:s7], [sflag:s22] =	dma.local [hbm:s5], s20  }
0x9e: {  	_ =	swait.ge [sflag:s22], s20  }
0x9f: {  	s4 =	ssub.s32 $0x0, s20;
	[sflag:s22] =	ssyncset.done $0x0  }
0xa0: {  	[sflag:s22] =	ssyncadd.s32 s4;
	_ =	sdelay $0x1  }
0xa1: {  	s23 =	simm.s32 $0x1B8B  }
0xa2: {  	_ =	swait.ge [sflag:s23], $0x1  }
0xa3: {  	[sflag:s23] =	ssyncset.done $0x0  }
0xa4: {  	s25 =	simm.s32 $0x1B8E;
	s24 =	sld [smem:$0x3FFE];
	[sflag:s23] =	ssyncadd.s32 $0xFFFFFFFF  }
0xa5: {  	s26 =	simm.s32 $execute0_lowered;
	[smem:$0x3FD2] =	sst s25  }
0xa6: {  	s5 =	sshll.u32 s26, $0x1;
	_ =	strace $0x80000046;
	[dreg:$0x1] =	wrdreg $0xFFFFFFFF  }
0xa7: {  	s28 =	simm.s32 $_size_execute0_lowered;
	s3 =	sadd.s32 s3, s5;
	[dreg:$0x0] =	wrdreg $0x0  }
0xa8: {  	s5 =	sshll.u32 s28, $0x1;
	[dreg:$0x2] =	wrdreg s3  }
0xa9: {  	[dreg:$0x3] =	wrdreg s5  }
0xaa: {  	[dreg:$0x4] =	wrdreg $0xC0  }
0xab: {  	_ =	task [dreg:s7], $0x5FFFF  }
0xac: {  	[dreg:$0x1] =	wrdreg $0xFFFFFFFF  }
0xad: {  	[dreg:$0x0] =	wrdreg $0x60  }
0xae: {  	[dreg:$0x2] =	wrdreg s2  }
0xaf: {  	[dreg:$0x3] =	wrdreg s24  }
0xb0: {  	[dreg:$0x4] =	wrdreg $0x9  }
0xb1: {  	_ =	task.clear_ibuf [dreg:s7], $0x5FFFF;
	_ =	strace $0x90000046  }
0xb2: {  	s29 =	simm.s32 $0x9;
	_ =	strace $0x80000048  }
0xb3: {  	_ =	swait.ge [sflag:s29], $0x1  }
0xb4: {  	[sflag:s29] =	ssyncadd.s32 $0xFFFFFFFF  }
0xb5: {  	_ =	strace $0x90000048  }
0xb6: {  	_ =	sfence  }
0xb7: {  	s30 =	sld [smem:$0x0];
	_ =	sdelay $0x2  }
0xb8: {  	s31 =	sshll.u32 s1, $0xD;
	s1 =	sshrl.u32 s1, $0x2  }
0xb9: {  	s3 =	sand.u32 $0x4000, s31;
	s1 =	sadd.s32 s1, s30  }
0xba: {  	s0 =	sor.u32 s3, s0;
	s1 =	sshll.u32 s1, $0x11  }
0xbb: {  	s0 =	sor.u32 s1, s0  }
0xbc: {  	s0 =	sadd.s32 $0x8F2B, s0  }
0xbd: {  	[sflag:s0] =	ssyncadd.remote.s32 $0x1  }
0xbe: {  	_ =	sfence.sel $0xFFFF  }
0xbf: {  	[dreg:$0x0] =	wrdreg $0xFFFFFFFF;
	(pc) =	sbr.abs _section_cstart, $3  }
0xc0: {  	[dreg:$0x1] =	wrdreg $0xFFFFFFFF  }
0xc1: {  	_ =	task.clear_ibuf [dreg:s7], $0x2FFFF;
	_ =	strace $0x9FFFFFFF  }
0xc2: {  	(tm) =	ssettm $0x7FFFFFFF  }
0xc3: {  	_ =	shalt  }
tec
execute0_lowered:
.L_overlay_start_1:
0x0: {  	(tag) =	ssettag $0x1  }
0x1: {  	s3 =	rddreg [dreg:$0x0]  }
0x2: {  	s4 =	rddreg [dreg:$0x1];
	s2 =	srdreg.scid  }
0x3: {  	s0 =	rddreg [dreg:$0x2];
	s1 =	stileid.u32  }
0x4: {  	s12 =	simm.s32 $0x2;
	s13 =	simm.s32 $0x0;
	s5 =	sand.u32 $0x1, s2  }
0x5: {  	s2 =	simm.s32 $0x0;
	s6 =	sshll.u32 s1, $0x8;
	s9 =	sadd.s32 $0x400, s4  }
0x6: {  	s10 =	smul.u32 $0x68000, s1;
	s7 =	sshll.u32 s5, $0x7;
	[smem:$0x7FF] =	sst s2  }
0x7: {  	s28 =	ssub.s32 $0x2, s5;
	s11 =	smul.u32 $0x34000, s5;
	s6 =	sor.u32 s7, s6  }
0x8: {  	_ =	strace $0x80000047;
	s29 =	sshrl.u32 s28, $0x1;
	s31 =	sadd.s32 s10, s9  }
0x9: {  	v0 =	vlaneseq.u32;
	s8 =	smul.u32 $0x680, s6;
	s7 =	ssub.s32 s28, s29;
	s30 =	sshll.u32 s6, $0x4  }
0xa: {  	v1 =	vimm.f32 $0.0e+00;
	v2 =	vimm.f32 $1.000000000e+00;
	v3 =	vor.u32 $0x10, v0;
	s10 =	simm.s32 $0x7400;
	s3 =	sadd.s32 s3, s30;
	s6 =	smax.u32 s7, $0x1  }
0xb: {  	v4 =	vor.u32 $0x20, v0;
	v5 =	vor.u32 $0x30, v0;
	v6 =	vor.u32 $0x40, v0;
	s7 =	sadd.s32 s11, s31;
	s11 =	simm.s32 $0x1;
	s4 =	sadd.s32 s9, s8  }
0xc: {  	v7 =	vor.u32 $0x50, v0;
	v8 =	vor.u32 $0x60, v0;
	v9 =	vor.u32 $0x70, v0;
	s8 =	simm.s32 $0x3;
	s9 =	simm.s32 $0x4000;
	s5 =	sadd.s32 $0x680, s4  }
.LBB2_1:
0xd: {  	[tilespmem:s2], [sflag:$0x3] =	stream.linear.gather [hbm4b:s3+s2], $0x4000, $0x38;
	[tilespmem:$0xA800] =	vst v63  }
0xe: {  	_ =	swait.ge [sflag:s8], $0x4000  }
0xf: {  	[sflag:s8] =	ssyncset.done $0x0  }
0x10: {  	s14 =	simm.s32 $0x0;
	s15 =	simm.s32 $0x200;
	[sflag:s8] =	ssyncadd.s32 $0xFFFFC000  }
.LBB2_2:
0x11: {  	p0 =	sne.s32 s15, $0xC600;
	[tilespmem:s14+$0x7470] =	vst v1  }
0x12: {  	[tilespmem:s14+$0x4000] =	vst v1  }
0x13: {  	[tilespmem:s14+$0x7400] =	vst v1  }
0x14: {  	[tilespmem:s14+$0x4010] =	vst v1  }
0x15: {  	[tilespmem:s14+$0x7410] =	vst v1  }
0x16: {  	[tilespmem:s14+$0x4020] =	vst v1  }
0x17: {  	[tilespmem:s14+$0x7420] =	vst v1  }
0x18: {  	[tilespmem:s14+$0x4030] =	vst v1  }
0x19: {  	[tilespmem:s14+$0x7430] =	vst v1  }
0x1a: {  	[tilespmem:s14+$0x4040] =	vst v1  }
0x1b: {  	[tilespmem:s14+$0x7440] =	vst v1  }
.Ltmp0:
0x1c: {  	[tilespmem:s14+$0x4050] =	vst v1;
	(pc) =	sbr.rel @p0 .LBB2_2-.Ltmp0, $4  }
0x1d: {  	[tilespmem:s14+$0x7450] =	vst v1  }
0x1e: {  	[tilespmem:s14+$0x4060] =	vst v1  }
0x1f: {  	[tilespmem:s14+$0x7460] =	vst v1  }
0x20: {  	[tilespmem:s14+$0x4070] =	vst v1;
	s14 =	sshra.s32 s15, $0x2;
	s15 =	sadd.s32 $0x200, s15  }
0x21: {  	[tilespmem:s14+$0x7470] =	vst v1  }
0x22: {  	[tilespmem:s14+$0x4000] =	vst v1  }
0x23: {  	[tilespmem:s14+$0x7400] =	vst v1  }
0x24: {  	[tilespmem:s14+$0x4010] =	vst v1  }
0x25: {  	[tilespmem:s14+$0x7410] =	vst v1  }
0x26: {  	[tilespmem:s14+$0x4020] =	vst v1  }
0x27: {  	[tilespmem:s14+$0x7420] =	vst v1  }
0x28: {  	[tilespmem:s14+$0x4030] =	vst v1  }
0x29: {  	[tilespmem:s14+$0x7430] =	vst v1  }
0x2a: {  	[tilespmem:s14+$0x4040] =	vst v1  }
0x2b: {  	[tilespmem:s14+$0x7440] =	vst v1  }
0x2c: {  	[tilespmem:s14+$0x4050] =	vst v1  }
0x2d: {  	[tilespmem:s14+$0x7450] =	vst v1  }
0x2e: {  	[tilespmem:s14+$0x4060] =	vst v1  }
0x2f: {  	[tilespmem:s14+$0x7460] =	vst v1  }
0x30: {  	[tilespmem:s14+$0x4070] =	vst v1  }
0x31: {  	v10 =	vld [tilespmem:$0x0];
	_ =	sdelay $0x4  }
0x32: {  	v10 =	vsub.f32 $1.000000000e+00, v10;
	_ =	sdelay $0x1  }
0x33: {  	v10 =	vmul.f32 $1.000000000e+02, v10;
	_ =	sdelay $0x1  }
0x34: {  	v10 =	vtrunc.f32 v10  }
0x35: {  	v10 =	vcvt.f32.s32 v10;
	_ =	sdelay $0x1  }
0x36: {  	vm0 =	vlt.s32 v10, $0x63  }
0x37: {  	v11 =	vnsel vm0, $0x63, v10  }
0x38: {  	vm9 =	vlt.s32 v10, $0x64;
	v10 =	vshll.u32 v11, $0x7  }
0x39: {  	v10 =	vor.u32 v0, v10;
	_ =	sdelay $0x4  }
0x3a: {  	[tilespmem:v10+s9+$0x0] =	vst.idx.msk vm9, v2  }
0x3b: {  	v10 =	vld [tilespmem:$0x10];
	_ =	sdelay $0x4  }
0x3c: {  	v10 =	vsub.f32 $1.000000000e+00, v10;
	_ =	sdelay $0x1  }
0x3d: {  	v10 =	vmul.f32 $1.000000000e+02, v10;
	_ =	sdelay $0x1  }
0x3e: {  	v10 =	vtrunc.f32 v10  }
0x3f: {  	v10 =	vcvt.f32.s32 v10;
	_ =	sdelay $0x1  }
0x40: {  	vm10 =	vlt.s32 v10, $0x63  }
0x41: {  	v11 =	vnsel vm10, $0x63, v10  }
0x42: {  	vm11 =	vlt.s32 v10, $0x64;
	v10 =	vshll.u32 v11, $0x7  }
0x43: {  	v10 =	vor.u32 v3, v10;
	_ =	sdelay $0x4  }
0x44: {  	[tilespmem:v10+s9+$0x0] =	vst.idx.msk vm11, v2  }
0x45: {  	v10 =	vld [tilespmem:$0x20];
	_ =	sdelay $0x4  }
0x46: {  	v10 =	vsub.f32 $1.000000000e+00, v10;
	_ =	sdelay $0x1  }
0x47: {  	v10 =	vmul.f32 $1.000000000e+02, v10;
	_ =	sdelay $0x1  }
0x48: {  	v10 =	vtrunc.f32 v10  }
0x49: {  	v10 =	vcvt.f32.s32 v10;
	_ =	sdelay $0x1  }
0x4a: {  	vm12 =	vlt.s32 v10, $0x63  }
0x4b: {  	v11 =	vnsel vm12, $0x63, v10  }
0x4c: {  	vm13 =	vlt.s32 v10, $0x64;
	v10 =	vshll.u32 v11, $0x7  }
0x4d: {  	v10 =	vor.u32 v4, v10;
	_ =	sdelay $0x4  }
0x4e: {  	[tilespmem:v10+s9+$0x0] =	vst.idx.msk vm13, v2  }
0x4f: {  	v10 =	vld [tilespmem:$0x30];
	_ =	sdelay $0x4  }
0x50: {  	v10 =	vsub.f32 $1.000000000e+00, v10;
	_ =	sdelay $0x1  }
0x51: {  	v10 =	vmul.f32 $1.000000000e+02, v10;
	_ =	sdelay $0x1  }
0x52: {  	v10 =	vtrunc.f32 v10  }
0x53: {  	v10 =	vcvt.f32.s32 v10;
	_ =	sdelay $0x1  }
0x54: {  	vm14 =	vlt.s32 v10, $0x63  }
0x55: {  	v11 =	vnsel vm14, $0x63, v10  }
0x56: {  	vm15 =	vlt.s32 v10, $0x64;
	v10 =	vshll.u32 v11, $0x7  }
0x57: {  	v10 =	vor.u32 v5, v10;
	_ =	sdelay $0x4  }
0x58: {  	[tilespmem:v10+s9+$0x0] =	vst.idx.msk vm15, v2  }
0x59: {  	v10 =	vld [tilespmem:$0x40];
	_ =	sdelay $0x4  }
0x5a: {  	v10 =	vsub.f32 $1.000000000e+00, v10;
	_ =	sdelay $0x1  }
0x5b: {  	v10 =	vmul.f32 $1.000000000e+02, v10;
	_ =	sdelay $0x1  }
0x5c: {  	v10 =	vtrunc.f32 v10  }
0x5d: {  	v10 =	vcvt.f32.s32 v10;
	_ =	sdelay $0x1  }
0x5e: {  	vm4 =	vlt.s32 v10, $0x63  }
0x5f: {  	v11 =	vnsel vm4, $0x63, v10  }
0x60: {  	vm5 =	vlt.s32 v10, $0x64;
	v10 =	vshll.u32 v11, $0x7  }
0x61: {  	v10 =	vor.u32 v6, v10;
	_ =	sdelay $0x4  }
0x62: {  	[tilespmem:v10+s9+$0x0] =	vst.idx.msk vm5, v2  }
0x63: {  	v10 =	vld [tilespmem:$0x50];
	_ =	sdelay $0x4  }
0x64: {  	v10 =	vsub.f32 $1.000000000e+00, v10;
	_ =	sdelay $0x1  }
0x65: {  	v10 =	vmul.f32 $1.000000000e+02, v10;
	_ =	sdelay $0x1  }
0x66: {  	v10 =	vtrunc.f32 v10  }
0x67: {  	v10 =	vcvt.f32.s32 v10;
	_ =	sdelay $0x1  }
0x68: {  	vm6 =	vlt.s32 v10, $0x63  }
0x69: {  	v11 =	vnsel vm6, $0x63, v10  }
0x6a: {  	vm7 =	vlt.s32 v10, $0x64;
	v10 =	vshll.u32 v11, $0x7  }
0x6b: {  	v10 =	vor.u32 v7, v10;
	_ =	sdelay $0x4  }
0x6c: {  	[tilespmem:v10+s9+$0x0] =	vst.idx.msk vm7, v2  }
0x6d: {  	v10 =	vld [tilespmem:$0x60];
	_ =	sdelay $0x4  }
0x6e: {  	v10 =	vsub.f32 $1.000000000e+00, v10;
	_ =	sdelay $0x1  }
0x6f: {  	v10 =	vmul.f32 $1.000000000e+02, v10;
	_ =	sdelay $0x1  }
0x70: {  	v10 =	vtrunc.f32 v10  }
0x71: {  	v10 =	vcvt.f32.s32 v10;
	_ =	sdelay $0x1  }
0x72: {  	vm8 =	vlt.s32 v10, $0x63  }
0x73: {  	v11 =	vnsel vm8, $0x63, v10  }
0x74: {  	vm9 =	vlt.s32 v10, $0x64;
	v10 =	vshll.u32 v11, $0x7  }
0x75: {  	v10 =	vor.u32 v8, v10;
	_ =	sdelay $0x4  }
0x76: {  	[tilespmem:v10+s9+$0x0] =	vst.idx.msk vm9, v2  }
0x77: {  	v10 =	vld [tilespmem:$0x70];
	_ =	sdelay $0x4  }
0x78: {  	v10 =	vsub.f32 $1.000000000e+00, v10;
	_ =	sdelay $0x1  }
0x79: {  	v10 =	vmul.f32 $1.000000000e+02, v10;
	_ =	sdelay $0x1  }
0x7a: {  	v10 =	vtrunc.f32 v10  }
0x7b: {  	v10 =	vcvt.f32.s32 v10;
	_ =	sdelay $0x1  }
0x7c: {  	vm10 =	vlt.s32 v10, $0x63  }
0x7d: {  	v11 =	vnsel vm10, $0x63, v10  }
0x7e: {  	vm11 =	vlt.s32 v10, $0x64;
	v10 =	vshll.u32 v11, $0x7  }
0x7f: {  	v10 =	vor.u32 v9, v10;
	_ =	sdelay $0x4  }
0x80: {  	[tilespmem:v10+s9+$0x0] =	vst.idx.msk vm11, v2  }
0x81: {  	[hbm4b:s4+s2] =	stream.linear.scatter [tilespmem:s9], [sflag:$0x1], $0x3200, $0x38;
	[tilespmem:$0xA800] =	vst v63  }
0x82: {  	v10 =	vld [tilespmem:$0x80];
	_ =	sdelay $0x4  }
0x83: {  	v10 =	vsub.f32 $1.000000000e+00, v10;
	_ =	sdelay $0x1  }
0x84: {  	v10 =	vmul.f32 $1.000000000e+02, v10;
	_ =	sdelay $0x1  }
0x85: {  	v10 =	vtrunc.f32 v10  }
0x86: {  	v10 =	vcvt.f32.s32 v10;
	_ =	sdelay $0x1  }
0x87: {  	vm12 =	vlt.s32 v10, $0x63  }
0x88: {  	v11 =	vnsel vm12, $0x63, v10  }
0x89: {  	vm13 =	vlt.s32 v10, $0x64;
	v10 =	vshll.u32 v11, $0x7  }
0x8a: {  	v10 =	vor.u32 v0, v10;
	_ =	sdelay $0x4  }
0x8b: {  	[tilespmem:v10+s10+$0x0] =	vst.idx.msk vm13, v2  }
0x8c: {  	v10 =	vld [tilespmem:$0x90];
	_ =	sdelay $0x4  }
0x8d: {  	v10 =	vsub.f32 $1.000000000e+00, v10;
	_ =	sdelay $0x1  }
0x8e: {  	v10 =	vmul.f32 $1.000000000e+02, v10;
	_ =	sdelay $0x1  }
0x8f: {  	v10 =	vtrunc.f32 v10  }
0x90: {  	v10 =	vcvt.f32.s32 v10;
	_ =	sdelay $0x1  }
0x91: {  	vm14 =	vlt.s32 v10, $0x63  }
0x92: {  	v11 =	vnsel vm14, $0x63, v10  }
0x93: {  	vm15 =	vlt.s32 v10, $0x64;
	v10 =	vshll.u32 v11, $0x7  }
0x94: {  	v10 =	vor.u32 v3, v10;
	_ =	sdelay $0x4  }
0x95: {  	[tilespmem:v10+s10+$0x0] =	vst.idx.msk vm15, v2  }
0x96: {  	v10 =	vld [tilespmem:$0xA0];
	_ =	sdelay $0x4  }
0x97: {  	v10 =	vsub.f32 $1.000000000e+00, v10;
	_ =	sdelay $0x1  }
0x98: {  	v10 =	vmul.f32 $1.000000000e+02, v10;
	_ =	sdelay $0x1  }
0x99: {  	v10 =	vtrunc.f32 v10  }
0x9a: {  	v10 =	vcvt.f32.s32 v10;
	_ =	sdelay $0x1  }
0x9b: {  	vm4 =	vlt.s32 v10, $0x63  }
0x9c: {  	v11 =	vnsel vm4, $0x63, v10  }
0x9d: {  	vm5 =	vlt.s32 v10, $0x64;
	v10 =	vshll.u32 v11, $0x7  }
0x9e: {  	v10 =	vor.u32 v4, v10;
	_ =	sdelay $0x4  }
0x9f: {  	[tilespmem:v10+s10+$0x0] =	vst.idx.msk vm5, v2  }
0xa0: {  	v10 =	vld [tilespmem:$0xB0];
	_ =	sdelay $0x4  }
0xa1: {  	v10 =	vsub.f32 $1.000000000e+00, v10;
	_ =	sdelay $0x1  }
0xa2: {  	v10 =	vmul.f32 $1.000000000e+02, v10;
	_ =	sdelay $0x1  }
0xa3: {  	v10 =	vtrunc.f32 v10  }
0xa4: {  	v10 =	vcvt.f32.s32 v10;
	_ =	sdelay $0x1  }
0xa5: {  	vm6 =	vlt.s32 v10, $0x63  }
0xa6: {  	v11 =	vnsel vm6, $0x63, v10  }
0xa7: {  	vm7 =	vlt.s32 v10, $0x64;
	v10 =	vshll.u32 v11, $0x7  }
0xa8: {  	v10 =	vor.u32 v5, v10;
	_ =	sdelay $0x4  }
0xa9: {  	[tilespmem:v10+s10+$0x0] =	vst.idx.msk vm7, v2  }
0xaa: {  	v10 =	vld [tilespmem:$0xC0];
	_ =	sdelay $0x4  }
0xab: {  	v10 =	vsub.f32 $1.000000000e+00, v10;
	_ =	sdelay $0x1  }
0xac: {  	v10 =	vmul.f32 $1.000000000e+02, v10;
	_ =	sdelay $0x1  }
0xad: {  	v10 =	vtrunc.f32 v10  }
0xae: {  	v10 =	vcvt.f32.s32 v10;
	_ =	sdelay $0x1  }
0xaf: {  	vm8 =	vlt.s32 v10, $0x63  }
0xb0: {  	v11 =	vnsel vm8, $0x63, v10  }
0xb1: {  	vm9 =	vlt.s32 v10, $0x64;
	v10 =	vshll.u32 v11, $0x7  }
0xb2: {  	v10 =	vor.u32 v6, v10;
	_ =	sdelay $0x4  }
0xb3: {  	[tilespmem:v10+s10+$0x0] =	vst.idx.msk vm9, v2  }
0xb4: {  	v10 =	vld [tilespmem:$0xD0];
	_ =	sdelay $0x4  }
0xb5: {  	v10 =	vsub.f32 $1.000000000e+00, v10;
	_ =	sdelay $0x1  }
0xb6: {  	v10 =	vmul.f32 $1.000000000e+02, v10;
	_ =	sdelay $0x1  }
0xb7: {  	v10 =	vtrunc.f32 v10  }
0xb8: {  	v10 =	vcvt.f32.s32 v10;
	_ =	sdelay $0x1  }
0xb9: {  	vm10 =	vlt.s32 v10, $0x63  }
0xba: {  	v11 =	vnsel vm10, $0x63, v10  }
0xbb: {  	vm11 =	vlt.s32 v10, $0x64;
	v10 =	vshll.u32 v11, $0x7  }
0xbc: {  	v10 =	vor.u32 v7, v10;
	_ =	sdelay $0x4  }
0xbd: {  	[tilespmem:v10+s10+$0x0] =	vst.idx.msk vm11, v2  }
0xbe: {  	v10 =	vld [tilespmem:$0xE0];
	_ =	sdelay $0x4  }
0xbf: {  	v10 =	vsub.f32 $1.000000000e+00, v10;
	_ =	sdelay $0x1  }
0xc0: {  	v10 =	vmul.f32 $1.000000000e+02, v10;
	_ =	sdelay $0x1  }
0xc1: {  	v10 =	vtrunc.f32 v10  }
0xc2: {  	v10 =	vcvt.f32.s32 v10;
	_ =	sdelay $0x1  }
0xc3: {  	vm12 =	vlt.s32 v10, $0x63  }
0xc4: {  	v11 =	vnsel vm12, $0x63, v10  }
0xc5: {  	vm13 =	vlt.s32 v10, $0x64;
	v10 =	vshll.u32 v11, $0x7  }
0xc6: {  	v10 =	vor.u32 v8, v10;
	_ =	sdelay $0x4  }
0xc7: {  	[tilespmem:v10+s10+$0x0] =	vst.idx.msk vm13, v2  }
0xc8: {  	v10 =	vld [tilespmem:$0xF0];
	_ =	sdelay $0x4  }
0xc9: {  	v10 =	vsub.f32 $1.000000000e+00, v10;
	_ =	sdelay $0x1  }
0xca: {  	v10 =	vmul.f32 $1.000000000e+02, v10;
	_ =	sdelay $0x1  }
0xcb: {  	v10 =	vtrunc.f32 v10  }
0xcc: {  	v10 =	vcvt.f32.s32 v10;
	_ =	sdelay $0x1  }
0xcd: {  	vm14 =	vlt.s32 v10, $0x63  }
0xce: {  	v11 =	vnsel vm14, $0x63, v10  }
0xcf: {  	vm15 =	vlt.s32 v10, $0x64;
	v10 =	vshll.u32 v11, $0x7  }
0xd0: {  	v10 =	vor.u32 v9, v10;
	_ =	sdelay $0x4  }
0xd1: {  	s14 =	simm.s32 $0xFFFCCD00;
	s15 =	simm.s32 $0x100;
	[tilespmem:v10+s10+$0x0] =	vst.idx.msk vm15, v2  }
0xd2: {  	[hbm4b:s5+s2] =	stream.linear.scatter [tilespmem:s10], [sflag:$0x2], $0x3200, $0x38;
	[tilespmem:$0xA800] =	vst v63  }
.LBB2_4:
0xd3: {  	_ =	swait.ge [sflag:s11], $0x3200  }
0xd4: {  	[sflag:s11] =	ssyncset.done $0x0  }
0xd5: {  	[sflag:s11] =	ssyncadd.s32 $0xFFFFCE00  }
0xd6: {  	v10 =	vld [tilespmem:s15+$0xFFFFFF00];
	_ =	sdelay $0x4  }
0xd7: {  	v10 =	vsub.f32 $1.000000000e+00, v10;
	_ =	sdelay $0x1  }
0xd8: {  	v10 =	vmul.f32 $1.000000000e+02, v10;
	_ =	sdelay $0x1  }
0xd9: {  	v10 =	vtrunc.f32 v10  }
0xda: {  	v10 =	vcvt.f32.s32 v10;
	_ =	sdelay $0x1  }
0xdb: {  	vm0 =	vlt.s32 v10, $0x63  }
0xdc: {  	v11 =	vnsel vm0, $0x63, v10  }
0xdd: {  	vm13 =	vlt.s32 v10, $0x64;
	v10 =	vshll.u32 v11, $0x7  }
0xde: {  	v10 =	vor.u32 v0, v10;
	_ =	sdelay $0x4  }
0xdf: {  	[tilespmem:v10+s9+$0x0] =	vst.idx.msk vm13, v1  }
0xe0: {  	v10 =	vld [tilespmem:s15+$0xFFFFFF10];
	_ =	sdelay $0x4  }
0xe1: {  	v10 =	vsub.f32 $1.000000000e+00, v10;
	_ =	sdelay $0x1  }
0xe2: {  	v10 =	vmul.f32 $1.000000000e+02, v10;
	_ =	sdelay $0x1  }
0xe3: {  	v10 =	vtrunc.f32 v10  }
0xe4: {  	v10 =	vcvt.f32.s32 v10;
	_ =	sdelay $0x1  }
0xe5: {  	vm14 =	vlt.s32 v10, $0x63  }
0xe6: {  	v11 =	vnsel vm14, $0x63, v10  }
0xe7: {  	vm15 =	vlt.s32 v10, $0x64;
	v10 =	vshll.u32 v11, $0x7  }
0xe8: {  	v10 =	vor.u32 v3, v10;
	_ =	sdelay $0x4  }
0xe9: {  	[tilespmem:v10+s9+$0x0] =	vst.idx.msk vm15, v1  }
0xea: {  	v10 =	vld [tilespmem:s15+$0xFFFFFF20];
	_ =	sdelay $0x4  }
0xeb: {  	v10 =	vsub.f32 $1.000000000e+00, v10;
	_ =	sdelay $0x1  }
0xec: {  	v10 =	vmul.f32 $1.000000000e+02, v10;
	_ =	sdelay $0x1  }
0xed: {  	v10 =	vtrunc.f32 v10  }
0xee: {  	v10 =	vcvt.f32.s32 v10;
	_ =	sdelay $0x1  }
0xef: {  	vm4 =	vlt.s32 v10, $0x63  }
0xf0: {  	v11 =	vnsel vm4, $0x63, v10  }
0xf1: {  	vm5 =	vlt.s32 v10, $0x64;
	v10 =	vshll.u32 v11, $0x7  }
0xf2: {  	v10 =	vor.u32 v4, v10;
	_ =	sdelay $0x4  }
0xf3: {  	[tilespmem:v10+s9+$0x0] =	vst.idx.msk vm5, v1  }
0xf4: {  	v10 =	vld [tilespmem:s15+$0xFFFFFF30];
	_ =	sdelay $0x4  }
0xf5: {  	v10 =	vsub.f32 $1.000000000e+00, v10;
	_ =	sdelay $0x1  }
0xf6: {  	v10 =	vmul.f32 $1.000000000e+02, v10;
	_ =	sdelay $0x1  }
0xf7: {  	v10 =	vtrunc.f32 v10  }
0xf8: {  	v10 =	vcvt.f32.s32 v10;
	_ =	sdelay $0x1  }
0xf9: {  	vm6 =	vlt.s32 v10, $0x63  }
0xfa: {  	v11 =	vnsel vm6, $0x63, v10  }
0xfb: {  	vm7 =	vlt.s32 v10, $0x64;
	v10 =	vshll.u32 v11, $0x7  }
0xfc: {  	v10 =	vor.u32 v5, v10;
	_ =	sdelay $0x4  }
0xfd: {  	[tilespmem:v10+s9+$0x0] =	vst.idx.msk vm7, v1  }
0xfe: {  	v10 =	vld [tilespmem:s15+$0xFFFFFF40];
	_ =	sdelay $0x4  }
0xff: {  	v10 =	vsub.f32 $1.000000000e+00, v10;
	_ =	sdelay $0x1  }
0x100: {  	v10 =	vmul.f32 $1.000000000e+02, v10;
	_ =	sdelay $0x1  }
0x101: {  	v10 =	vtrunc.f32 v10  }
0x102: {  	v10 =	vcvt.f32.s32 v10;
	_ =	sdelay $0x1  }
0x103: {  	vm8 =	vlt.s32 v10, $0x63  }
0x104: {  	v11 =	vnsel vm8, $0x63, v10  }
0x105: {  	vm9 =	vlt.s32 v10, $0x64;
	v10 =	vshll.u32 v11, $0x7  }
0x106: {  	v10 =	vor.u32 v6, v10;
	_ =	sdelay $0x4  }
0x107: {  	[tilespmem:v10+s9+$0x0] =	vst.idx.msk vm9, v1  }
0x108: {  	v10 =	vld [tilespmem:s15+$0xFFFFFF50];
	_ =	sdelay $0x4  }
0x109: {  	v10 =	vsub.f32 $1.000000000e+00, v10;
	_ =	sdelay $0x1  }
0x10a: {  	v10 =	vmul.f32 $1.000000000e+02, v10;
	_ =	sdelay $0x1  }
0x10b: {  	v10 =	vtrunc.f32 v10  }
0x10c: {  	v10 =	vcvt.f32.s32 v10;
	_ =	sdelay $0x1  }
0x10d: {  	vm10 =	vlt.s32 v10, $0x63  }
0x10e: {  	v11 =	vnsel vm10, $0x63, v10  }
0x10f: {  	vm11 =	vlt.s32 v10, $0x64;
	v10 =	vshll.u32 v11, $0x7  }
0x110: {  	v10 =	vor.u32 v7, v10;
	_ =	sdelay $0x4  }
0x111: {  	[tilespmem:v10+s9+$0x0] =	vst.idx.msk vm11, v1  }
0x112: {  	v10 =	vld [tilespmem:s15+$0xFFFFFF60];
	_ =	sdelay $0x4  }
0x113: {  	v10 =	vsub.f32 $1.000000000e+00, v10;
	_ =	sdelay $0x1  }
0x114: {  	v10 =	vmul.f32 $1.000000000e+02, v10;
	_ =	sdelay $0x1  }
0x115: {  	v10 =	vtrunc.f32 v10  }
0x116: {  	v10 =	vcvt.f32.s32 v10;
	_ =	sdelay $0x1  }
0x117: {  	vm12 =	vlt.s32 v10, $0x63  }
0x118: {  	v11 =	vnsel vm12, $0x63, v10  }
0x119: {  	vm13 =	vlt.s32 v10, $0x64;
	v10 =	vshll.u32 v11, $0x7  }
0x11a: {  	v10 =	vor.u32 v8, v10;
	_ =	sdelay $0x4  }
0x11b: {  	[tilespmem:v10+s9+$0x0] =	vst.idx.msk vm13, v1  }
0x11c: {  	v10 =	vld [tilespmem:s15+$0xFFFFFF70];
	_ =	sdelay $0x4  }
0x11d: {  	v10 =	vsub.f32 $1.000000000e+00, v10;
	_ =	sdelay $0x1  }
0x11e: {  	v10 =	vmul.f32 $1.000000000e+02, v10;
	_ =	sdelay $0x1  }
0x11f: {  	v10 =	vtrunc.f32 v10  }
0x120: {  	v10 =	vcvt.f32.s32 v10;
	_ =	sdelay $0x1  }
0x121: {  	vm14 =	vlt.s32 v10, $0x63  }
0x122: {  	v11 =	vnsel vm14, $0x63, v10  }
0x123: {  	vm15 =	vlt.s32 v10, $0x64;
	v10 =	vshll.u32 v11, $0x7  }
0x124: {  	v10 =	vor.u32 v9, v10;
	_ =	sdelay $0x4  }
0x125: {  	[tilespmem:v10+s9+$0x0] =	vst.idx.msk vm15, v1  }
0x126: {  	v10 =	vld [tilespmem:s15+$0x0];
	_ =	sdelay $0x4  }
0x127: {  	v10 =	vsub.f32 $1.000000000e+00, v10;
	_ =	sdelay $0x1  }
0x128: {  	v10 =	vmul.f32 $1.000000000e+02, v10;
	_ =	sdelay $0x1  }
0x129: {  	v10 =	vtrunc.f32 v10  }
0x12a: {  	v10 =	vcvt.f32.s32 v10;
	_ =	sdelay $0x1  }
0x12b: {  	vm4 =	vlt.s32 v10, $0x63  }
0x12c: {  	v11 =	vnsel vm4, $0x63, v10  }
0x12d: {  	vm5 =	vlt.s32 v10, $0x64;
	v10 =	vshll.u32 v11, $0x7  }
0x12e: {  	v10 =	vor.u32 v0, v10;
	_ =	sdelay $0x4  }
0x12f: {  	[tilespmem:v10+s9+$0x0] =	vst.idx.msk vm5, v2  }
0x130: {  	v10 =	vld [tilespmem:s15+$0x10];
	_ =	sdelay $0x4  }
0x131: {  	v10 =	vsub.f32 $1.000000000e+00, v10;
	_ =	sdelay $0x1  }
0x132: {  	v10 =	vmul.f32 $1.000000000e+02, v10;
	_ =	sdelay $0x1  }
0x133: {  	v10 =	vtrunc.f32 v10  }
0x134: {  	v10 =	vcvt.f32.s32 v10;
	_ =	sdelay $0x1  }
0x135: {  	vm6 =	vlt.s32 v10, $0x63  }
0x136: {  	v11 =	vnsel vm6, $0x63, v10  }
0x137: {  	vm7 =	vlt.s32 v10, $0x64;
	v10 =	vshll.u32 v11, $0x7  }
0x138: {  	v10 =	vor.u32 v3, v10;
	_ =	sdelay $0x4  }
0x139: {  	[tilespmem:v10+s9+$0x0] =	vst.idx.msk vm7, v2  }
0x13a: {  	v10 =	vld [tilespmem:s15+$0x20];
	_ =	sdelay $0x4  }
0x13b: {  	v10 =	vsub.f32 $1.000000000e+00, v10;
	_ =	sdelay $0x1  }
0x13c: {  	v10 =	vmul.f32 $1.000000000e+02, v10;
	_ =	sdelay $0x1  }
0x13d: {  	v10 =	vtrunc.f32 v10  }
0x13e: {  	v10 =	vcvt.f32.s32 v10;
	_ =	sdelay $0x1  }
0x13f: {  	vm8 =	vlt.s32 v10, $0x63  }
0x140: {  	v11 =	vnsel vm8, $0x63, v10  }
0x141: {  	vm9 =	vlt.s32 v10, $0x64;
	v10 =	vshll.u32 v11, $0x7  }
0x142: {  	v10 =	vor.u32 v4, v10;
	_ =	sdelay $0x4  }
0x143: {  	[tilespmem:v10+s9+$0x0] =	vst.idx.msk vm9, v2  }
0x144: {  	v10 =	vld [tilespmem:s15+$0x30];
	_ =	sdelay $0x4  }
0x145: {  	v10 =	vsub.f32 $1.000000000e+00, v10;
	_ =	sdelay $0x1  }
0x146: {  	v10 =	vmul.f32 $1.000000000e+02, v10;
	_ =	sdelay $0x1  }
0x147: {  	v10 =	vtrunc.f32 v10  }
0x148: {  	v10 =	vcvt.f32.s32 v10;
	_ =	sdelay $0x1  }
0x149: {  	vm10 =	vlt.s32 v10, $0x63  }
0x14a: {  	v11 =	vnsel vm10, $0x63, v10  }
0x14b: {  	vm11 =	vlt.s32 v10, $0x64;
	v10 =	vshll.u32 v11, $0x7  }
0x14c: {  	v10 =	vor.u32 v5, v10;
	_ =	sdelay $0x4  }
0x14d: {  	[tilespmem:v10+s9+$0x0] =	vst.idx.msk vm11, v2  }
0x14e: {  	v10 =	vld [tilespmem:s15+$0x40];
	_ =	sdelay $0x4  }
0x14f: {  	v10 =	vsub.f32 $1.000000000e+00, v10;
	_ =	sdelay $0x1  }
0x150: {  	v10 =	vmul.f32 $1.000000000e+02, v10;
	_ =	sdelay $0x1  }
0x151: {  	v10 =	vtrunc.f32 v10  }
0x152: {  	v10 =	vcvt.f32.s32 v10;
	_ =	sdelay $0x1  }
0x153: {  	vm12 =	vlt.s32 v10, $0x63  }
0x154: {  	v11 =	vnsel vm12, $0x63, v10  }
0x155: {  	vm13 =	vlt.s32 v10, $0x64;
	v10 =	vshll.u32 v11, $0x7  }
0x156: {  	v10 =	vor.u32 v6, v10;
	_ =	sdelay $0x4  }
0x157: {  	[tilespmem:v10+s9+$0x0] =	vst.idx.msk vm13, v2  }
0x158: {  	v10 =	vld [tilespmem:s15+$0x50];
	_ =	sdelay $0x4  }
0x159: {  	v10 =	vsub.f32 $1.000000000e+00, v10;
	_ =	sdelay $0x1  }
0x15a: {  	v10 =	vmul.f32 $1.000000000e+02, v10;
	_ =	sdelay $0x1  }
0x15b: {  	v10 =	vtrunc.f32 v10  }
0x15c: {  	v10 =	vcvt.f32.s32 v10;
	_ =	sdelay $0x1  }
0x15d: {  	vm14 =	vlt.s32 v10, $0x63  }
0x15e: {  	v11 =	vnsel vm14, $0x63, v10  }
0x15f: {  	vm15 =	vlt.s32 v10, $0x64;
	v10 =	vshll.u32 v11, $0x7  }
0x160: {  	v10 =	vor.u32 v7, v10;
	_ =	sdelay $0x4  }
0x161: {  	[tilespmem:v10+s9+$0x0] =	vst.idx.msk vm15, v2  }
0x162: {  	v10 =	vld [tilespmem:s15+$0x60];
	_ =	sdelay $0x4  }
0x163: {  	v10 =	vsub.f32 $1.000000000e+00, v10;
	_ =	sdelay $0x1  }
0x164: {  	v10 =	vmul.f32 $1.000000000e+02, v10;
	_ =	sdelay $0x1  }
0x165: {  	v10 =	vtrunc.f32 v10  }
0x166: {  	v10 =	vcvt.f32.s32 v10;
	_ =	sdelay $0x1  }
0x167: {  	vm4 =	vlt.s32 v10, $0x63  }
0x168: {  	v11 =	vnsel vm4, $0x63, v10  }
0x169: {  	vm5 =	vlt.s32 v10, $0x64;
	v10 =	vshll.u32 v11, $0x7  }
0x16a: {  	v10 =	vor.u32 v8, v10;
	_ =	sdelay $0x4  }
0x16b: {  	[tilespmem:v10+s9+$0x0] =	vst.idx.msk vm5, v2  }
0x16c: {  	v10 =	vld [tilespmem:s15+$0x70];
	_ =	sdelay $0x4  }
0x16d: {  	v10 =	vsub.f32 $1.000000000e+00, v10;
	_ =	sdelay $0x1  }
0x16e: {  	v10 =	vmul.f32 $1.000000000e+02, v10;
	_ =	sdelay $0x1  }
0x16f: {  	v10 =	vtrunc.f32 v10  }
0x170: {  	v10 =	vcvt.f32.s32 v10;
	_ =	sdelay $0x1  }
0x171: {  	vm6 =	vlt.s32 v10, $0x63  }
0x172: {  	v11 =	vnsel vm6, $0x63, v10  }
0x173: {  	vm7 =	vlt.s32 v10, $0x64;
	v10 =	vshll.u32 v11, $0x7  }
0x174: {  	v10 =	vor.u32 v9, v10;
	_ =	sdelay $0x3  }
0x175: {  	s16 =	sadd.s32 s14, s7  }
0x176: {  	s17 =	sadd.s32 $0x34000, s16;
	[tilespmem:v10+s9+$0x0] =	vst.idx.msk vm7, v2  }
0x177: {  	[hbm4b:s17+s2] =	stream.linear.scatter [tilespmem:s9], [sflag:$0x1], $0x3200, $0x38;
	[tilespmem:$0xA800] =	vst v63  }
0x178: {  	_ =	swait.ge [sflag:s12], $0x3200  }
0x179: {  	[sflag:s12] =	ssyncset.done $0x0  }
0x17a: {  	[sflag:s12] =	ssyncadd.s32 $0xFFFFCE00  }
0x17b: {  	v10 =	vld [tilespmem:s15+$0xFFFFFF80];
	_ =	sdelay $0x4  }
0x17c: {  	v10 =	vsub.f32 $1.000000000e+00, v10;
	_ =	sdelay $0x1  }
0x17d: {  	v10 =	vmul.f32 $1.000000000e+02, v10;
	_ =	sdelay $0x1  }
0x17e: {  	v10 =	vtrunc.f32 v10  }
0x17f: {  	v10 =	vcvt.f32.s32 v10;
	_ =	sdelay $0x1  }
0x180: {  	vm8 =	vlt.s32 v10, $0x63  }
0x181: {  	v11 =	vnsel vm8, $0x63, v10  }
0x182: {  	vm9 =	vlt.s32 v10, $0x64;
	v10 =	vshll.u32 v11, $0x7  }
0x183: {  	v10 =	vor.u32 v0, v10;
	_ =	sdelay $0x4  }
0x184: {  	[tilespmem:v10+s10+$0x0] =	vst.idx.msk vm9, v1  }
0x185: {  	v10 =	vld [tilespmem:s15+$0xFFFFFF90];
	_ =	sdelay $0x4  }
0x186: {  	v10 =	vsub.f32 $1.000000000e+00, v10;
	_ =	sdelay $0x1  }
0x187: {  	v10 =	vmul.f32 $1.000000000e+02, v10;
	_ =	sdelay $0x1  }
0x188: {  	v10 =	vtrunc.f32 v10  }
0x189: {  	v10 =	vcvt.f32.s32 v10;
	_ =	sdelay $0x1  }
0x18a: {  	vm10 =	vlt.s32 v10, $0x63  }
0x18b: {  	v11 =	vnsel vm10, $0x63, v10  }
0x18c: {  	vm11 =	vlt.s32 v10, $0x64;
	v10 =	vshll.u32 v11, $0x7  }
0x18d: {  	v10 =	vor.u32 v3, v10;
	_ =	sdelay $0x4  }
0x18e: {  	[tilespmem:v10+s10+$0x0] =	vst.idx.msk vm11, v1  }
0x18f: {  	v10 =	vld [tilespmem:s15+$0xFFFFFFA0];
	_ =	sdelay $0x4  }
0x190: {  	v10 =	vsub.f32 $1.000000000e+00, v10;
	_ =	sdelay $0x1  }
0x191: {  	v10 =	vmul.f32 $1.000000000e+02, v10;
	_ =	sdelay $0x1  }
0x192: {  	v10 =	vtrunc.f32 v10  }
0x193: {  	v10 =	vcvt.f32.s32 v10;
	_ =	sdelay $0x1  }
0x194: {  	vm12 =	vlt.s32 v10, $0x63  }
0x195: {  	v11 =	vnsel vm12, $0x63, v10  }
0x196: {  	vm13 =	vlt.s32 v10, $0x64;
	v10 =	vshll.u32 v11, $0x7  }
0x197: {  	v10 =	vor.u32 v4, v10;
	_ =	sdelay $0x4  }
0x198: {  	[tilespmem:v10+s10+$0x0] =	vst.idx.msk vm13, v1  }
0x199: {  	v10 =	vld [tilespmem:s15+$0xFFFFFFB0];
	_ =	sdelay $0x4  }
0x19a: {  	v10 =	vsub.f32 $1.000000000e+00, v10;
	_ =	sdelay $0x1  }
0x19b: {  	v10 =	vmul.f32 $1.000000000e+02, v10;
	_ =	sdelay $0x1  }
0x19c: {  	v10 =	vtrunc.f32 v10  }
0x19d: {  	v10 =	vcvt.f32.s32 v10;
	_ =	sdelay $0x1  }
0x19e: {  	vm14 =	vlt.s32 v10, $0x63  }
0x19f: {  	v11 =	vnsel vm14, $0x63, v10  }
0x1a0: {  	vm15 =	vlt.s32 v10, $0x64;
	v10 =	vshll.u32 v11, $0x7  }
0x1a1: {  	v10 =	vor.u32 v5, v10;
	_ =	sdelay $0x4  }
0x1a2: {  	[tilespmem:v10+s10+$0x0] =	vst.idx.msk vm15, v1  }
0x1a3: {  	v10 =	vld [tilespmem:s15+$0xFFFFFFC0];
	_ =	sdelay $0x4  }
0x1a4: {  	v10 =	vsub.f32 $1.000000000e+00, v10;
	_ =	sdelay $0x1  }
0x1a5: {  	v10 =	vmul.f32 $1.000000000e+02, v10;
	_ =	sdelay $0x1  }
0x1a6: {  	v10 =	vtrunc.f32 v10  }
0x1a7: {  	v10 =	vcvt.f32.s32 v10;
	_ =	sdelay $0x1  }
0x1a8: {  	vm4 =	vlt.s32 v10, $0x63  }
0x1a9: {  	v11 =	vnsel vm4, $0x63, v10  }
0x1aa: {  	vm5 =	vlt.s32 v10, $0x64;
	v10 =	vshll.u32 v11, $0x7  }
0x1ab: {  	v10 =	vor.u32 v6, v10;
	_ =	sdelay $0x4  }
0x1ac: {  	[tilespmem:v10+s10+$0x0] =	vst.idx.msk vm5, v1  }
0x1ad: {  	v10 =	vld [tilespmem:s15+$0xFFFFFFD0];
	_ =	sdelay $0x4  }
0x1ae: {  	v10 =	vsub.f32 $1.000000000e+00, v10;
	_ =	sdelay $0x1  }
0x1af: {  	v10 =	vmul.f32 $1.000000000e+02, v10;
	_ =	sdelay $0x1  }
0x1b0: {  	v10 =	vtrunc.f32 v10  }
0x1b1: {  	v10 =	vcvt.f32.s32 v10;
	_ =	sdelay $0x1  }
0x1b2: {  	vm6 =	vlt.s32 v10, $0x63  }
0x1b3: {  	v11 =	vnsel vm6, $0x63, v10  }
0x1b4: {  	vm7 =	vlt.s32 v10, $0x64;
	v10 =	vshll.u32 v11, $0x7  }
0x1b5: {  	v10 =	vor.u32 v7, v10;
	_ =	sdelay $0x4  }
0x1b6: {  	[tilespmem:v10+s10+$0x0] =	vst.idx.msk vm7, v1  }
0x1b7: {  	v10 =	vld [tilespmem:s15+$0xFFFFFFE0];
	_ =	sdelay $0x4  }
0x1b8: {  	v10 =	vsub.f32 $1.000000000e+00, v10;
	_ =	sdelay $0x1  }
0x1b9: {  	v10 =	vmul.f32 $1.000000000e+02, v10;
	_ =	sdelay $0x1  }
0x1ba: {  	v10 =	vtrunc.f32 v10  }
0x1bb: {  	v10 =	vcvt.f32.s32 v10;
	_ =	sdelay $0x1  }
0x1bc: {  	vm8 =	vlt.s32 v10, $0x63  }
0x1bd: {  	v11 =	vnsel vm8, $0x63, v10  }
0x1be: {  	vm9 =	vlt.s32 v10, $0x64;
	v10 =	vshll.u32 v11, $0x7  }
0x1bf: {  	v10 =	vor.u32 v8, v10;
	_ =	sdelay $0x4  }
0x1c0: {  	[tilespmem:v10+s10+$0x0] =	vst.idx.msk vm9, v1  }
0x1c1: {  	v10 =	vld [tilespmem:s15+$0xFFFFFFF0];
	_ =	sdelay $0x4  }
0x1c2: {  	v10 =	vsub.f32 $1.000000000e+00, v10;
	_ =	sdelay $0x1  }
0x1c3: {  	v10 =	vmul.f32 $1.000000000e+02, v10;
	_ =	sdelay $0x1  }
0x1c4: {  	v10 =	vtrunc.f32 v10  }
0x1c5: {  	v10 =	vcvt.f32.s32 v10;
	_ =	sdelay $0x1  }
0x1c6: {  	vm10 =	vlt.s32 v10, $0x63  }
0x1c7: {  	v11 =	vnsel vm10, $0x63, v10  }
0x1c8: {  	vm11 =	vlt.s32 v10, $0x64;
	v10 =	vshll.u32 v11, $0x7  }
0x1c9: {  	v10 =	vor.u32 v9, v10;
	_ =	sdelay $0x4  }
0x1ca: {  	[tilespmem:v10+s10+$0x0] =	vst.idx.msk vm11, v1  }
0x1cb: {  	v10 =	vld [tilespmem:s15+$0x80];
	_ =	sdelay $0x4  }
0x1cc: {  	v10 =	vsub.f32 $1.000000000e+00, v10;
	_ =	sdelay $0x1  }
0x1cd: {  	v10 =	vmul.f32 $1.000000000e+02, v10;
	_ =	sdelay $0x1  }
0x1ce: {  	v10 =	vtrunc.f32 v10  }
0x1cf: {  	v10 =	vcvt.f32.s32 v10;
	_ =	sdelay $0x1  }
0x1d0: {  	vm12 =	vlt.s32 v10, $0x63  }
0x1d1: {  	v11 =	vnsel vm12, $0x63, v10  }
0x1d2: {  	vm13 =	vlt.s32 v10, $0x64;
	v10 =	vshll.u32 v11, $0x7  }
0x1d3: {  	v10 =	vor.u32 v0, v10;
	_ =	sdelay $0x4  }
0x1d4: {  	[tilespmem:v10+s10+$0x0] =	vst.idx.msk vm13, v2  }
0x1d5: {  	v10 =	vld [tilespmem:s15+$0x90];
	_ =	sdelay $0x4  }
0x1d6: {  	v10 =	vsub.f32 $1.000000000e+00, v10;
	_ =	sdelay $0x1  }
0x1d7: {  	v10 =	vmul.f32 $1.000000000e+02, v10;
	_ =	sdelay $0x1  }
0x1d8: {  	v10 =	vtrunc.f32 v10  }
0x1d9: {  	v10 =	vcvt.f32.s32 v10;
	_ =	sdelay $0x1  }
0x1da: {  	vm14 =	vlt.s32 v10, $0x63  }
0x1db: {  	v11 =	vnsel vm14, $0x63, v10  }
0x1dc: {  	vm15 =	vlt.s32 v10, $0x64;
	v10 =	vshll.u32 v11, $0x7  }
0x1dd: {  	v10 =	vor.u32 v3, v10;
	_ =	sdelay $0x4  }
0x1de: {  	[tilespmem:v10+s10+$0x0] =	vst.idx.msk vm15, v2  }
0x1df: {  	v10 =	vld [tilespmem:s15+$0xA0];
	_ =	sdelay $0x4  }
0x1e0: {  	v10 =	vsub.f32 $1.000000000e+00, v10;
	_ =	sdelay $0x1  }
0x1e1: {  	v10 =	vmul.f32 $1.000000000e+02, v10;
	_ =	sdelay $0x1  }
0x1e2: {  	v10 =	vtrunc.f32 v10  }
0x1e3: {  	v10 =	vcvt.f32.s32 v10;
	_ =	sdelay $0x1  }
0x1e4: {  	vm4 =	vlt.s32 v10, $0x63  }
0x1e5: {  	v11 =	vnsel vm4, $0x63, v10  }
0x1e6: {  	vm5 =	vlt.s32 v10, $0x64;
	v10 =	vshll.u32 v11, $0x7  }
0x1e7: {  	v10 =	vor.u32 v4, v10;
	_ =	sdelay $0x4  }
0x1e8: {  	[tilespmem:v10+s10+$0x0] =	vst.idx.msk vm5, v2  }
0x1e9: {  	v10 =	vld [tilespmem:s15+$0xB0];
	_ =	sdelay $0x4  }
0x1ea: {  	v10 =	vsub.f32 $1.000000000e+00, v10;
	_ =	sdelay $0x1  }
0x1eb: {  	v10 =	vmul.f32 $1.000000000e+02, v10;
	_ =	sdelay $0x1  }
0x1ec: {  	v10 =	vtrunc.f32 v10  }
0x1ed: {  	v10 =	vcvt.f32.s32 v10;
	_ =	sdelay $0x1  }
0x1ee: {  	vm6 =	vlt.s32 v10, $0x63  }
0x1ef: {  	v11 =	vnsel vm6, $0x63, v10  }
0x1f0: {  	vm7 =	vlt.s32 v10, $0x64;
	v10 =	vshll.u32 v11, $0x7  }
0x1f1: {  	v10 =	vor.u32 v5, v10;
	_ =	sdelay $0x4  }
0x1f2: {  	[tilespmem:v10+s10+$0x0] =	vst.idx.msk vm7, v2  }
0x1f3: {  	v10 =	vld [tilespmem:s15+$0xC0];
	_ =	sdelay $0x4  }
0x1f4: {  	v10 =	vsub.f32 $1.000000000e+00, v10;
	_ =	sdelay $0x1  }
0x1f5: {  	v10 =	vmul.f32 $1.000000000e+02, v10;
	_ =	sdelay $0x1  }
0x1f6: {  	v10 =	vtrunc.f32 v10  }
0x1f7: {  	v10 =	vcvt.f32.s32 v10;
	_ =	sdelay $0x1  }
0x1f8: {  	vm8 =	vlt.s32 v10, $0x63  }
0x1f9: {  	v11 =	vnsel vm8, $0x63, v10  }
0x1fa: {  	vm9 =	vlt.s32 v10, $0x64;
	v10 =	vshll.u32 v11, $0x7  }
0x1fb: {  	v10 =	vor.u32 v6, v10;
	_ =	sdelay $0x4  }
0x1fc: {  	[tilespmem:v10+s10+$0x0] =	vst.idx.msk vm9, v2  }
0x1fd: {  	v10 =	vld [tilespmem:s15+$0xD0];
	_ =	sdelay $0x4  }
0x1fe: {  	v10 =	vsub.f32 $1.000000000e+00, v10;
	_ =	sdelay $0x1  }
0x1ff: {  	v10 =	vmul.f32 $1.000000000e+02, v10;
	_ =	sdelay $0x1  }
0x200: {  	v10 =	vtrunc.f32 v10  }
0x201: {  	v10 =	vcvt.f32.s32 v10;
	_ =	sdelay $0x1  }
0x202: {  	vm10 =	vlt.s32 v10, $0x63  }
0x203: {  	v11 =	vnsel vm10, $0x63, v10  }
0x204: {  	vm11 =	vlt.s32 v10, $0x64;
	v10 =	vshll.u32 v11, $0x7  }
0x205: {  	v10 =	vor.u32 v7, v10;
	_ =	sdelay $0x4  }
0x206: {  	[tilespmem:v10+s10+$0x0] =	vst.idx.msk vm11, v2  }
0x207: {  	v10 =	vld [tilespmem:s15+$0xE0];
	_ =	sdelay $0x4  }
0x208: {  	v10 =	vsub.f32 $1.000000000e+00, v10;
	_ =	sdelay $0x1  }
0x209: {  	v10 =	vmul.f32 $1.000000000e+02, v10;
	_ =	sdelay $0x1  }
0x20a: {  	v10 =	vtrunc.f32 v10  }
0x20b: {  	v10 =	vcvt.f32.s32 v10;
	_ =	sdelay $0x1  }
0x20c: {  	vm12 =	vlt.s32 v10, $0x63  }
0x20d: {  	v11 =	vnsel vm12, $0x63, v10  }
0x20e: {  	vm13 =	vlt.s32 v10, $0x64;
	v10 =	vshll.u32 v11, $0x7  }
0x20f: {  	v10 =	vor.u32 v8, v10;
	_ =	sdelay $0x4  }
0x210: {  	[tilespmem:v10+s10+$0x0] =	vst.idx.msk vm13, v2  }
0x211: {  	v10 =	vld [tilespmem:s15+$0xF0];
	_ =	sdelay $0x4  }
0x212: {  	v10 =	vsub.f32 $1.000000000e+00, v10;
	_ =	sdelay $0x1  }
0x213: {  	v10 =	vmul.f32 $1.000000000e+02, v10;
	_ =	sdelay $0x1  }
0x214: {  	v10 =	vtrunc.f32 v10  }
0x215: {  	v10 =	vcvt.f32.s32 v10;
	_ =	sdelay $0x1  }
0x216: {  	vm14 =	vlt.s32 v10, $0x63  }
0x217: {  	v11 =	vnsel vm14, $0x63, v10  }
0x218: {  	vm15 =	vlt.s32 v10, $0x64;
	v10 =	vshll.u32 v11, $0x7  }
0x219: {  	v10 =	vor.u32 v9, v10  }
0x21a: {  	p0 =	sne.s32 s14, $0xFFFFF300  }
.Ltmp1:
0x21b: {  	_ = 	snop;
	(pc) =	sbr.rel @p0 .LBB2_4-.Ltmp1, $3  }
0x21c: {  	_ =	sdelay $0x1  }
0x21d: {  	s14 =	sadd.s32 $0xD00, s14;
	s16 =	sadd.s32 $0x34680, s16;
	s15 =	sadd.s32 $0x100, s15;
	[tilespmem:v10+s10+$0x0] =	vst.idx.msk vm15, v2  }
0x21e: {  	[hbm4b:s16+s2] =	stream.linear.scatter [tilespmem:s10], [sflag:$0x2], $0x3200, $0x38;
	[tilespmem:$0xA800] =	vst v63  }
0x21f: {  	s13 =	sadd.s32 $0x1, s13  }
0x220: {  	_ =	swait.ge [sflag:s11], $0x3200;
	p0 =	sne.s32 s13, s6  }
.Ltmp2:
0x221: {  	[sflag:s11] =	ssyncset.done $0x0;
	(pc) =	sbr.rel @p0 .LBB2_1-.Ltmp2, $4  }
0x222: {  	[sflag:s11] =	ssyncadd.s32 $0xFFFFCE00  }
0x223: {  	_ =	swait.ge [sflag:s12], $0x3200  }
0x224: {  	[sflag:s12] =	ssyncset.done $0x0  }
0x225: {  	[sflag:s12] =	ssyncadd.s32 $0xFFFFCE00  }
0x226: {  	_ =	sfence.sel $0x180000  }
0x227: {  	[bflag:$0x0] =	sbarrier.arrive $0xFFFF  }
0x228: {  	p0 =	sne.s32 s1, $0x0;
	_ =	strace $0x90000047  }
0x229: {  	s0 =	sadd.s32 @!p0 $0x100000, s0;
	[bflag:$0x2] =	sbarrier.arrive $0xFFFF  }
0x22a: {  	[sflag:s0] =	ssyncadd.tile.s32 @!p0 $0x1;
	_ =	shalt  }
.Lfunc_end2:
_tile_overlayer_lowered:
.L_overlay_start_2:
0x22b: {  	(tag) =	ssettag $0x2  }
0x22c: {  	s0 =	rddreg [dreg:$0x0];
	s2 =	stileid.u32  }
0x22d: {  	s1 =	rddreg [dreg:$0x1];
	p0 =	sne.s32 s2, $0x0  }
0x22e: {  	s3 =	rddreg [dreg:$0x2];
	[bflag:$0x3] =	sbarrier.arrive $0xFFFF;
	s2 =	simm.s32 @!p0 $0x1C03  }
0x22f: {  	[timem:s3], [sflag:s2] =	dma.local @!p0 [hbm:s0], s1  }
0x230: {  	s0 =	simm.s32 @!p0 $0x3  }
0x231: {  	_ =	swait.ge @!p0 [sflag:s0], s1  }
0x232: {  	s1 =	ssub.s32 @!p0 $0x0, s1;
	[sflag:s0] =	ssyncset.done @!p0 $0x0  }
0x233: {  	[sflag:s0] =	ssyncadd.s32 @!p0 s1  }
0x234: {  	[bflag:$0x3] =	sbarrier.arrive $0xFFFF  }
0x235: {  	_ =	shalt  }

</sc_bundles>
